<compile_context>
chip_gen: v7x
topology: tpu7x:2x2x1
jax: 0.10.2.dev20260603
libtpu: 0.0.44.dev20260713+nightly
codegen_flags: <defaults>
</compile_context>

<pallas_src>
import functools

import numpy as np

import jax
import jax.numpy as jnp
from jax import lax
from jax.experimental import pallas as pl
from jax.experimental.pallas import tpu as pltpu
from jax.experimental.pallas import tpu_sc as plsc

VOCAB = 1000000
CTX = 2048
D = 64

NUM_CORES = 2
NUM_SUBCORES = 16
NUM_WORKERS = NUM_CORES * NUM_SUBCORES
NBUF = 4
EDGE = (VOCAB // 128) * 128


def _sinusoidal_pe(context_size, embedding_size):
    positions = np.arange(context_size, dtype=np.float32)
    indices = np.arange(embedding_size // 2, dtype=np.float32)
    scaling_factor = 10000.0 ** (2.0 * indices / embedding_size)
    angles = positions[:, None] / scaling_factor
    pe = np.zeros((context_size, embedding_size), dtype=np.float32)
    pe[:, 0::2] = np.sin(angles)
    pe[:, 1::2] = np.cos(angles)
    return jnp.asarray(pe)


def _make_sc_kernel(batch, tok_per_worker):
    mesh = plsc.VectorSubcoreMesh(
        core_axis_name="c",
        subcore_axis_name="s",
        num_cores=NUM_CORES,
        num_subcores=NUM_SUBCORES,
    )

    @functools.partial(
        pl.kernel,
        out_type=jax.ShapeDtypeStruct((batch, D), jnp.float32),
        mesh=mesh,
        scratch_types=[
            pltpu.VMEM((tok_per_worker + 16,), jnp.int32),
            pltpu.VMEM((tok_per_worker, D), jnp.float32),
            pltpu.VMEM((2 * NBUF + 1, D, 128), jnp.float32),
            pltpu.VMEM((2 * 2 * NBUF, D), jnp.float32),
            pltpu.SemaphoreType.DMA,
            pltpu.SemaphoreType.DMA,
            pltpu.SemaphoreType.DMA,
            pltpu.SemaphoreType.DMA,
        ],
        compiler_params=pltpu.CompilerParams(needs_layout_passes=False),
    )
    def body(
        idx_hbm, pe_hbm, tableT_hbm, tail_hbm, out_hbm,
        idx_s, pe_v, bufs, ring, sem_a, sem_b, sem_pe, sem_o,
    ):
        wid = lax.axis_index("s") * NUM_CORES + lax.axis_index("c")
        base = wid * tok_per_worker
        pe_base = lax.rem(base, CTX)
        pltpu.sync_copy(
            idx_hbm.at[pl.ds(base, tok_per_worker)],
            idx_s.at[pl.ds(0, tok_per_worker)],
        )
        pltpu.sync_copy(tail_hbm, bufs.at[2 * NBUF])
        pltpu.async_copy(
            pe_hbm.at[pl.ds(pe_base, tok_per_worker)], pe_v, sem_pe
        )
        iota16 = lax.iota(jnp.int32, 16)
        n_chunks = tok_per_worker // NBUF
        pair_rows = 2 * NBUF

        def fire(ch, gbase, gsem):
            vec = idx_s[pl.ds(ch * NBUF, 16)]
            for j in range(NBUF):
                off = jnp.minimum((vec[j] // 128) * 128, EDGE - 128)
                pltpu.async_copy(
                    tableT_hbm.at[:, pl.ds(off, 128)], bufs.at[gbase + j], gsem
                )

        def drain_extract(ch, gbase, gsem, slot):
            vec = idx_s[pl.ds(ch * NBUF, 16)]
            for j in range(NBUF):
                pltpu.make_async_copy(
                    tableT_hbm.at[:, pl.ds(0, 128)], bufs.at[gbase + j], gsem
                ).wait()
            for j in range(NBUF):
                edge = vec[j] >= EDGE
                off = jnp.minimum((vec[j] // 128) * 128, EDGE - 128)
                sel = jnp.full(
                    (16,), jnp.where(edge, 2 * NBUF, gbase + j), jnp.int32
                )
                col = jnp.where(edge, vec[j] - EDGE, vec[j] - off)
                voff = jnp.full((16,), col, jnp.int32)
                r = ch * NBUF + j
                rr = slot * pair_rows + gbase + j
                for c in range(D // 16):
                    sl = pl.ds(16 * c, 16)
                    g = plsc.load_gather(bufs, [sel, iota16 + (16 * c), voff])
                    ring[rr, sl] = g + pe_v[r, sl]

        fire(0, 0, sem_a)
        pltpu.make_async_copy(
            pe_hbm.at[pl.ds(0, tok_per_worker)], pe_v, sem_pe
        ).wait()

        def do_pair(it, _):
            ch_a = 2 * it
            slot = lax.rem(it, 2)

            @pl.when(it > 0)
            def _():
                pltpu.make_async_copy(
                    ring.at[pl.ds(0, pair_rows)],
                    out_hbm.at[pl.ds(base, pair_rows)],
                    sem_o,
                ).wait()

            fire(ch_a + 1, NBUF, sem_b)
            drain_extract(ch_a, 0, sem_a, slot)
            fire(jnp.minimum(ch_a + 2, n_chunks - 2), 0, sem_a)
            drain_extract(ch_a + 1, NBUF, sem_b, slot)
            pltpu.async_copy(
                ring.at[pl.ds(slot * pair_rows, pair_rows)],
                out_hbm.at[pl.ds(base + it * pair_rows, pair_rows)],
                sem_o,
            )
            return 0

        lax.fori_loop(0, n_chunks // 2, do_pair, 0)
        for j in range(NBUF):
            pltpu.make_async_copy(
                tableT_hbm.at[:, pl.ds(0, 128)], bufs.at[j], sem_a
            ).wait()
        pltpu.make_async_copy(
            ring.at[pl.ds(0, pair_rows)],
            out_hbm.at[pl.ds(base, pair_rows)],
            sem_o,
        ).wait()

    return body


def kernel(x, table):
    pe = _sinusoidal_pe(CTX, D)
    idx = x.reshape(-1).astype(jnp.int32)
    batch = idx.shape[0]
    tok_per_worker = batch // NUM_WORKERS
    tableT = table.T
    tail = jnp.pad(tableT[:, EDGE:], ((0, 0), (0, 128 - (VOCAB - EDGE))))
    out = _make_sc_kernel(batch, tok_per_worker)(idx, pe, tableT, tail)
    return out.reshape(x.shape + (D,))

# --- scband reference (transcript-rebuilt; emitter-appended) ---
"""Pipeline reference for scband-sinusoidal-positional-embedding-9216999817382 (READ-ONLY COPY).

The authoritative reference and input builder live on the scoring server;
editing this copy changes nothing except your own understanding.
"""

import jax, jax.numpy as jnp
import numpy as np

VOCAB = 1000000
CTX = 2048
D = 64


def sinusoidal_pe(context_size, embedding_size):
    positions = jnp.arange(context_size, dtype=jnp.float32)
    indices = jnp.arange(embedding_size // 2, dtype=jnp.float32)
    scaling_factor = 10000.0 ** (2.0 * indices / embedding_size)
    angles = positions[:, None] / scaling_factor
    pe = jnp.zeros((context_size, embedding_size), dtype=jnp.float32)
    pe = pe.at[:, 0::2].set(jnp.sin(angles))
    pe = pe.at[:, 1::2].set(jnp.cos(angles))
    return pe


def setup_inputs(seed: int = 0) -> dict:
    key = jax.random.key(seed)
    k1, k2 = jax.random.split(key)
    x = jax.random.randint(k1, (4, 2048), 0, VOCAB)
    table = jax.random.normal(k2, (VOCAB, D), dtype=jnp.float32)
    return {"x": x, "table": table}


def reference(x, table):
    # token embedding lookup (gather)
    token_embeddings = jnp.take(table, x, axis=0)
    # sinusoidal positional encoding, truncated to seq_len
    pe = sinusoidal_pe(CTX, D)
    position_encoding = pe[: x.shape[-1], :]
    return token_embeddings + position_encoding

if __name__ == "__main__":
    import jax
    _d = setup_inputs()
    print(jax.jit(kernel)(*tuple(_d.values())))

</pallas_src>

<mosaic_0001>
#map = affine_map<(d0, d1) -> (0)>
#map1 = affine_map<(d0, d1) -> (0, 0)>
module attributes {stable_mosaic.version = 14 : i64} {
  func.func @body(%arg0: i32, %arg1: i32, %arg2: memref<8192xi32, #tpu.memory_space<hbm>>, %arg3: memref<2048x64xf32, #tpu.memory_space<hbm>>, %arg4: memref<64x1000000xf32, #tpu.memory_space<hbm>>, %arg5: memref<64x128xf32, #tpu.memory_space<hbm>>, %arg6: memref<8192x64xf32, #tpu.memory_space<hbm>>, %arg7: memref<272xi32, #tpu.memory_space<vmem>>, %arg8: memref<256x64xf32, #tpu.memory_space<vmem>>, %arg9: memref<9x64x128xf32, #tpu.memory_space<vmem>>, %arg10: memref<16x64xf32, #tpu.memory_space<vmem>>, %arg11: memref<!tpu.dma_semaphore, #tpu.memory_space<semaphore_mem>>, %arg12: memref<!tpu.dma_semaphore, #tpu.memory_space<semaphore_mem>>, %arg13: memref<!tpu.dma_semaphore, #tpu.memory_space<semaphore_mem>>, %arg14: memref<!tpu.dma_semaphore, #tpu.memory_space<semaphore_mem>>) attributes {dimension_semantics = [#tpu.dimension_semantics<core_parallel>, #tpu.dimension_semantics<subcore_parallel>], iteration_bounds = array<i64: 2, 16>, scalar_prefetch = 0 : i64, scratch_operands = 8 : i64, tpu.core_type = #tpu.core_type<sc_vector_subcore>, window_params = [{transform_indices = #map}, {transform_indices = #map1}, {transform_indices = #map1}, {transform_indices = #map1}, {transform_indices = #map1}]} {
    %mul3A = arith.constant 2 : i32
    %mul3A_0 = arith.muli %arg1, %mul3A : i32
    %add3A = arith.addi %mul3A_0, %arg0 : i32
    %mul3A_1 = arith.constant 256 : i32
    %mul3A_2 = arith.muli %add3A, %mul3A_1 : i32
    %rem3A = arith.constant 2048 : i32
    %rem3A_3 = arith.remsi %mul3A_2, %rem3A : i32
    "tpu.region"() ({
      %run_scoped3A_251 = tpu.sem_alloc : memref<!tpu.dma_semaphore, #tpu.memory_space<semaphore_mem>>
      %dma_start3A_252 = arith.constant 0 : i32
      %dma_start3A_253 = tpu.memref_slice %arg7[%dma_start3A_252] : memref<272xi32, #tpu.memory_space<vmem>> -> memref<256xi32, #tpu.memory_space<vmem>>
      %dma_start3A_254 = tpu.memref_slice %arg2[%mul3A_2] : memref<8192xi32, #tpu.memory_space<hbm>> -> memref<256xi32, #tpu.memory_space<hbm>>
      %dma_start3A_255 = arith.constant 0 : i32
      %dma_start3A_256 = tpu.memref_slice %arg7[%dma_start3A_255] : memref<272xi32, #tpu.memory_space<vmem>> -> memref<256xi32, #tpu.memory_space<vmem>>
      %dma_start3A_257 = tpu.memref_slice %arg2[%mul3A_2] : memref<8192xi32, #tpu.memory_space<hbm>> -> memref<256xi32, #tpu.memory_space<hbm>>
      tpu.enqueue_dma source(%dma_start3A_257 : memref<256xi32, #tpu.memory_space<hbm>>) target(%dma_start3A_256 : memref<256xi32, #tpu.memory_space<vmem>>) target_semaphore(%run_scoped3A_251 : memref<!tpu.dma_semaphore, #tpu.memory_space<semaphore_mem>>)
      %dma_wait3A_258 = arith.constant 0 : i32
      %dma_wait3A_259 = tpu.memref_slice %arg7[%dma_wait3A_258] : memref<272xi32, #tpu.memory_space<vmem>> -> memref<256xi32, #tpu.memory_space<vmem>>
      %dma_wait3A_260 = tpu.memref_slice %arg2[%mul3A_2] : memref<8192xi32, #tpu.memory_space<hbm>> -> memref<256xi32, #tpu.memory_space<hbm>>
      %dma_wait3A_261 = arith.constant 0 : i32
      %dma_wait3A_262 = tpu.memref_slice %arg7[%dma_wait3A_261] : memref<272xi32, #tpu.memory_space<vmem>> -> memref<256xi32, #tpu.memory_space<vmem>>
      %dma_wait3A_263 = tpu.memref_slice %arg2[%mul3A_2] : memref<8192xi32, #tpu.memory_space<hbm>> -> memref<256xi32, #tpu.memory_space<hbm>>
      tpu.wait_dma2 semaphore(%run_scoped3A_251 : memref<!tpu.dma_semaphore, #tpu.memory_space<semaphore_mem>>) src(%dma_wait3A_263 : memref<256xi32, #tpu.memory_space<hbm>>) dst(%dma_wait3A_262 : memref<256xi32, #tpu.memory_space<vmem>>)
      tpu.yield
    }) : () -> ()
    %run_scoped3A = arith.constant 8 : i32
    "tpu.region"() ({
      %run_scoped3A_251 = tpu.sem_alloc : memref<!tpu.dma_semaphore, #tpu.memory_space<semaphore_mem>>
      %dma_start3A_252 = arith.constant 0 : i32
      %dma_start3A_253 = arith.constant 0 : i32
      %dma_start3A_254 = tpu.memref_slice %arg9[%run_scoped3A, %dma_start3A_252, %dma_start3A_253] : memref<9x64x128xf32, #tpu.memory_space<vmem>> -> memref<1x64x128xf32, #tpu.memory_space<vmem>>
      %dma_start3A_255 = tpu.memref_squeeze %dma_start3A_254 : memref<1x64x128xf32, #tpu.memory_space<vmem>> -> memref<64x128xf32, #tpu.memory_space<vmem>>
      %dma_start3A_256 = arith.constant 0 : i32
      %dma_start3A_257 = arith.constant 0 : i32
      %dma_start3A_258 = tpu.memref_slice %arg9[%run_scoped3A, %dma_start3A_256, %dma_start3A_257] : memref<9x64x128xf32, #tpu.memory_space<vmem>> -> memref<1x64x128xf32, #tpu.memory_space<vmem>>
      %dma_start3A_259 = tpu.memref_squeeze %dma_start3A_258 : memref<1x64x128xf32, #tpu.memory_space<vmem>> -> memref<64x128xf32, #tpu.memory_space<vmem>>
      tpu.enqueue_dma source(%arg5 : memref<64x128xf32, #tpu.memory_space<hbm>>) target(%dma_start3A_259 : memref<64x128xf32, #tpu.memory_space<vmem>>) target_semaphore(%run_scoped3A_251 : memref<!tpu.dma_semaphore, #tpu.memory_space<semaphore_mem>>)
      %dma_wait3A_260 = arith.constant 0 : i32
      %dma_wait3A_261 = arith.constant 0 : i32
      %dma_wait3A_262 = tpu.memref_slice %arg9[%run_scoped3A, %dma_wait3A_260, %dma_wait3A_261] : memref<9x64x128xf32, #tpu.memory_space<vmem>> -> memref<1x64x128xf32, #tpu.memory_space<vmem>>
      %dma_wait3A_263 = tpu.memref_squeeze %dma_wait3A_262 : memref<1x64x128xf32, #tpu.memory_space<vmem>> -> memref<64x128xf32, #tpu.memory_space<vmem>>
      %dma_wait3A_264 = arith.constant 0 : i32
      %dma_wait3A_265 = arith.constant 0 : i32
      %dma_wait3A_266 = tpu.memref_slice %arg9[%run_scoped3A, %dma_wait3A_264, %dma_wait3A_265] : memref<9x64x128xf32, #tpu.memory_space<vmem>> -> memref<1x64x128xf32, #tpu.memory_space<vmem>>
      %dma_wait3A_267 = tpu.memref_squeeze %dma_wait3A_266 : memref<1x64x128xf32, #tpu.memory_space<vmem>> -> memref<64x128xf32, #tpu.memory_space<vmem>>
      tpu.wait_dma2 semaphore(%run_scoped3A_251 : memref<!tpu.dma_semaphore, #tpu.memory_space<semaphore_mem>>) src(%arg5 : memref<64x128xf32, #tpu.memory_space<hbm>>) dst(%dma_wait3A_267 : memref<64x128xf32, #tpu.memory_space<vmem>>)
      tpu.yield
    }) : () -> ()
    %dma_start3A = arith.constant 0 : i32
    %dma_start3A_4 = tpu.memref_slice %arg3[%rem3A_3, %dma_start3A] : memref<2048x64xf32, #tpu.memory_space<hbm>> -> memref<256x64xf32, #tpu.memory_space<hbm>>
    %dma_start3A_5 = arith.constant 0 : i32
    %dma_start3A_6 = tpu.memref_slice %arg3[%rem3A_3, %dma_start3A_5] : memref<2048x64xf32, #tpu.memory_space<hbm>> -> memref<256x64xf32, #tpu.memory_space<hbm>>
    tpu.enqueue_dma source(%dma_start3A_6 : memref<256x64xf32, #tpu.memory_space<hbm>>) target(%arg8 : memref<256x64xf32, #tpu.memory_space<vmem>>) target_semaphore(%arg13 : memref<!tpu.dma_semaphore, #tpu.memory_space<semaphore_mem>>)
    %iota3A = tpu.iota {dimensions = array<i32: 0>} : vector<16xi32>
    %get3A = arith.constant 0 : index
    %get3A_7 = tpu.vector_load %arg7[%get3A] {strides = array<i32>} : memref<272xi32, #tpu.memory_space<vmem>>, vector<16xi32>,
    %slice3A = vector.extract_strided_slice %get3A_7 {offsets = [0], sizes = [1], strides = [1]} : vector<16xi32> to vector<1xi32>
    %squeeze3A = vector.extract %slice3A[0] : i32 from vector<1xi32>
    %jit3A = arith.constant 128 : i32
    %div3A = arith.divsi %squeeze3A, %jit3A : i32
    %sign3A = arith.constant 0 : i32
    %sign3A_8 = arith.cmpi sgt, %squeeze3A, %sign3A : i32
    %sign3A_9 = arith.extui %sign3A_8 : i1 to i32
    %sign3A_10 = arith.constant 0 : i32
    %sign3A_11 = arith.cmpi slt, %squeeze3A, %sign3A_10 : i32
    %sign3A_12 = arith.extui %sign3A_11 : i1 to i32
    %sign3A_13 = arith.subi %sign3A_9, %sign3A_12 : i32
    %sign3A_14 = arith.constant 0 : i32
    %sign3A_15 = arith.cmpi sgt, %jit3A, %sign3A_14 : i32
    %sign3A_16 = arith.extui %sign3A_15 : i1 to i32
    %sign3A_17 = arith.constant 0 : i32
    %sign3A_18 = arith.cmpi slt, %jit3A, %sign3A_17 : i32
    %sign3A_19 = arith.extui %sign3A_18 : i1 to i32
    %sign3A_20 = arith.subi %sign3A_16, %sign3A_19 : i32
    %ne3A = arith.cmpi ne, %sign3A_13, %sign3A_20 : i32
    %rem3A_21 = arith.remsi %squeeze3A, %jit3A : i32
    %ne3A_22 = arith.constant 0 : i32
    %ne3A_23 = arith.cmpi ne, %rem3A_21, %ne3A_22 : i32
    %and3A = arith.andi %ne3A, %ne3A_23 : i1
    %sub3A = arith.constant 1 : i32
    %sub3A_24 = arith.subi %div3A, %sub3A : i32
    %select_n3A = arith.select %and3A, %sub3A_24, %div3A : i32
    %mul3A_25 = arith.constant 128 : i32
    %mul3A_26 = arith.muli %select_n3A, %mul3A_25 : i32
    %min3A = arith.constant 999808 : i32
    %min3A_27 = arith.minsi %mul3A_26, %min3A : i32
    %dma_start3A_28 = arith.constant 0 : i32
    %dma_start3A_29 = arith.constant 0 : i32
    %dma_start3A_30 = arith.constant 0 : i32
    %dma_start3A_31 = tpu.memref_slice %arg9[%dma_start3A_28, %dma_start3A_29, %dma_start3A_30] : memref<9x64x128xf32, #tpu.memory_space<vmem>> -> memref<1x64x128xf32, #tpu.memory_space<vmem>>
    %dma_start3A_32 = tpu.memref_squeeze %dma_start3A_31 : memref<1x64x128xf32, #tpu.memory_space<vmem>> -> memref<64x128xf32, #tpu.memory_space<vmem>>
    %dma_start3A_33 = arith.constant 0 : i32
    %dma_start3A_34 = tpu.memref_slice %arg4[%dma_start3A_33, %min3A_27] : memref<64x1000000xf32, #tpu.memory_space<hbm>> -> memref<64x128xf32, #tpu.memory_space<hbm>>
    %dma_start3A_35 = arith.constant 0 : i32
    %dma_start3A_36 = arith.constant 0 : i32
    %dma_start3A_37 = tpu.memref_slice %arg9[%dma_start3A_28, %dma_start3A_35, %dma_start3A_36] : memref<9x64x128xf32, #tpu.memory_space<vmem>> -> memref<1x64x128xf32, #tpu.memory_space<vmem>>
    %dma_start3A_38 = tpu.memref_squeeze %dma_start3A_37 : memref<1x64x128xf32, #tpu.memory_space<vmem>> -> memref<64x128xf32, #tpu.memory_space<vmem>>
    %dma_start3A_39 = arith.constant 0 : i32
    %dma_start3A_40 = tpu.memref_slice %arg4[%dma_start3A_39, %min3A_27] : memref<64x1000000xf32, #tpu.memory_space<hbm>> -> memref<64x128xf32, #tpu.memory_space<hbm>>
    tpu.enqueue_dma source(%dma_start3A_40 : memref<64x128xf32, #tpu.memory_space<hbm>>) target(%dma_start3A_38 : memref<64x128xf32, #tpu.memory_space<vmem>>) target_semaphore(%arg11 : memref<!tpu.dma_semaphore, #tpu.memory_space<semaphore_mem>>)
    %slice3A_41 = vector.extract_strided_slice %get3A_7 {offsets = [1], sizes = [1], strides = [1]} : vector<16xi32> to vector<1xi32>
    %squeeze3A_42 = vector.extract %slice3A_41[0] : i32 from vector<1xi32>
    %jit3A_43 = arith.constant 128 : i32
    %div3A_44 = arith.divsi %squeeze3A_42, %jit3A_43 : i32
    %sign3A_45 = arith.constant 0 : i32
    %sign3A_46 = arith.cmpi sgt, %squeeze3A_42, %sign3A_45 : i32
    %sign3A_47 = arith.extui %sign3A_46 : i1 to i32
    %sign3A_48 = arith.constant 0 : i32
    %sign3A_49 = arith.cmpi slt, %squeeze3A_42, %sign3A_48 : i32
    %sign3A_50 = arith.extui %sign3A_49 : i1 to i32
    %sign3A_51 = arith.subi %sign3A_47, %sign3A_50 : i32
    %sign3A_52 = arith.constant 0 : i32
    %sign3A_53 = arith.cmpi sgt, %jit3A_43, %sign3A_52 : i32
    %sign3A_54 = arith.extui %sign3A_53 : i1 to i32
    %sign3A_55 = arith.constant 0 : i32
    %sign3A_56 = arith.cmpi slt, %jit3A_43, %sign3A_55 : i32
    %sign3A_57 = arith.extui %sign3A_56 : i1 to i32
    %sign3A_58 = arith.subi %sign3A_54, %sign3A_57 : i32
    %ne3A_59 = arith.cmpi ne, %sign3A_51, %sign3A_58 : i32
    %rem3A_60 = arith.remsi %squeeze3A_42, %jit3A_43 : i32
    %ne3A_61 = arith.constant 0 : i32
    %ne3A_62 = arith.cmpi ne, %rem3A_60, %ne3A_61 : i32
    %and3A_63 = arith.andi %ne3A_59, %ne3A_62 : i1
    %sub3A_64 = arith.constant 1 : i32
    %sub3A_65 = arith.subi %div3A_44, %sub3A_64 : i32
    %select_n3A_66 = arith.select %and3A_63, %sub3A_65, %div3A_44 : i32
    %mul3A_67 = arith.constant 128 : i32
    %mul3A_68 = arith.muli %select_n3A_66, %mul3A_67 : i32
    %min3A_69 = arith.constant 999808 : i32
    %min3A_70 = arith.minsi %mul3A_68, %min3A_69 : i32
    %dma_start3A_71 = arith.constant 1 : i32
    %dma_start3A_72 = arith.constant 0 : i32
    %dma_start3A_73 = arith.constant 0 : i32
    %dma_start3A_74 = tpu.memref_slice %arg9[%dma_start3A_71, %dma_start3A_72, %dma_start3A_73] : memref<9x64x128xf32, #tpu.memory_space<vmem>> -> memref<1x64x128xf32, #tpu.memory_space<vmem>>
    %dma_start3A_75 = tpu.memref_squeeze %dma_start3A_74 : memref<1x64x128xf32, #tpu.memory_space<vmem>> -> memref<64x128xf32, #tpu.memory_space<vmem>>
    %dma_start3A_76 = arith.constant 0 : i32
    %dma_start3A_77 = tpu.memref_slice %arg4[%dma_start3A_76, %min3A_70] : memref<64x1000000xf32, #tpu.memory_space<hbm>> -> memref<64x128xf32, #tpu.memory_space<hbm>>
    %dma_start3A_78 = arith.constant 0 : i32
    %dma_start3A_79 = arith.constant 0 : i32
    %dma_start3A_80 = tpu.memref_slice %arg9[%dma_start3A_71, %dma_start3A_78, %dma_start3A_79] : memref<9x64x128xf32, #tpu.memory_space<vmem>> -> memref<1x64x128xf32, #tpu.memory_space<vmem>>
    %dma_start3A_81 = tpu.memref_squeeze %dma_start3A_80 : memref<1x64x128xf32, #tpu.memory_space<vmem>> -> memref<64x128xf32, #tpu.memory_space<vmem>>
    %dma_start3A_82 = arith.constant 0 : i32
    %dma_start3A_83 = tpu.memref_slice %arg4[%dma_start3A_82, %min3A_70] : memref<64x1000000xf32, #tpu.memory_space<hbm>> -> memref<64x128xf32, #tpu.memory_space<hbm>>
    tpu.enqueue_dma source(%dma_start3A_83 : memref<64x128xf32, #tpu.memory_space<hbm>>) target(%dma_start3A_81 : memref<64x128xf32, #tpu.memory_space<vmem>>) target_semaphore(%arg11 : memref<!tpu.dma_semaphore, #tpu.memory_space<semaphore_mem>>)
    %slice3A_84 = vector.extract_strided_slice %get3A_7 {offsets = [2], sizes = [1], strides = [1]} : vector<16xi32> to vector<1xi32>
    %squeeze3A_85 = vector.extract %slice3A_84[0] : i32 from vector<1xi32>
    %jit3A_86 = arith.constant 128 : i32
    %div3A_87 = arith.divsi %squeeze3A_85, %jit3A_86 : i32
    %sign3A_88 = arith.constant 0 : i32
    %sign3A_89 = arith.cmpi sgt, %squeeze3A_85, %sign3A_88 : i32
    %sign3A_90 = arith.extui %sign3A_89 : i1 to i32
    %sign3A_91 = arith.constant 0 : i32
    %sign3A_92 = arith.cmpi slt, %squeeze3A_85, %sign3A_91 : i32
    %sign3A_93 = arith.extui %sign3A_92 : i1 to i32
    %sign3A_94 = arith.subi %sign3A_90, %sign3A_93 : i32
    %sign3A_95 = arith.constant 0 : i32
    %sign3A_96 = arith.cmpi sgt, %jit3A_86, %sign3A_95 : i32
    %sign3A_97 = arith.extui %sign3A_96 : i1 to i32
    %sign3A_98 = arith.constant 0 : i32
    %sign3A_99 = arith.cmpi slt, %jit3A_86, %sign3A_98 : i32
    %sign3A_100 = arith.extui %sign3A_99 : i1 to i32
    %sign3A_101 = arith.subi %sign3A_97, %sign3A_100 : i32
    %ne3A_102 = arith.cmpi ne, %sign3A_94, %sign3A_101 : i32
    %rem3A_103 = arith.remsi %squeeze3A_85, %jit3A_86 : i32
    %ne3A_104 = arith.constant 0 : i32
    %ne3A_105 = arith.cmpi ne, %rem3A_103, %ne3A_104 : i32
    %and3A_106 = arith.andi %ne3A_102, %ne3A_105 : i1
    %sub3A_107 = arith.constant 1 : i32
    %sub3A_108 = arith.subi %div3A_87, %sub3A_107 : i32
    %select_n3A_109 = arith.select %and3A_106, %sub3A_108, %div3A_87 : i32
    %mul3A_110 = arith.constant 128 : i32
    %mul3A_111 = arith.muli %select_n3A_109, %mul3A_110 : i32
    %min3A_112 = arith.constant 999808 : i32
    %min3A_113 = arith.minsi %mul3A_111, %min3A_112 : i32
    %dma_start3A_114 = arith.constant 2 : i32
    %dma_start3A_115 = arith.constant 0 : i32
    %dma_start3A_116 = arith.constant 0 : i32
    %dma_start3A_117 = tpu.memref_slice %arg9[%dma_start3A_114, %dma_start3A_115, %dma_start3A_116] : memref<9x64x128xf32, #tpu.memory_space<vmem>> -> memref<1x64x128xf32, #tpu.memory_space<vmem>>
    %dma_start3A_118 = tpu.memref_squeeze %dma_start3A_117 : memref<1x64x128xf32, #tpu.memory_space<vmem>> -> memref<64x128xf32, #tpu.memory_space<vmem>>
    %dma_start3A_119 = arith.constant 0 : i32
    %dma_start3A_120 = tpu.memref_slice %arg4[%dma_start3A_119, %min3A_113] : memref<64x1000000xf32, #tpu.memory_space<hbm>> -> memref<64x128xf32, #tpu.memory_space<hbm>>
    %dma_start3A_121 = arith.constant 0 : i32
    %dma_start3A_122 = arith.constant 0 : i32
    %dma_start3A_123 = tpu.memref_slice %arg9[%dma_start3A_114, %dma_start3A_121, %dma_start3A_122] : memref<9x64x128xf32, #tpu.memory_space<vmem>> -> memref<1x64x128xf32, #tpu.memory_space<vmem>>
    %dma_start3A_124 = tpu.memref_squeeze %dma_start3A_123 : memref<1x64x128xf32, #tpu.memory_space<vmem>> -> memref<64x128xf32, #tpu.memory_space<vmem>>
    %dma_start3A_125 = arith.constant 0 : i32
    %dma_start3A_126 = tpu.memref_slice %arg4[%dma_start3A_125, %min3A_113] : memref<64x1000000xf32, #tpu.memory_space<hbm>> -> memref<64x128xf32, #tpu.memory_space<hbm>>
    tpu.enqueue_dma source(%dma_start3A_126 : memref<64x128xf32, #tpu.memory_space<hbm>>) target(%dma_start3A_124 : memref<64x128xf32, #tpu.memory_space<vmem>>) target_semaphore(%arg11 : memref<!tpu.dma_semaphore, #tpu.memory_space<semaphore_mem>>)
    %slice3A_127 = vector.extract_strided_slice %get3A_7 {offsets = [3], sizes = [1], strides = [1]} : vector<16xi32> to vector<1xi32>
    %squeeze3A_128 = vector.extract %slice3A_127[0] : i32 from vector<1xi32>
    %jit3A_129 = arith.constant 128 : i32
    %div3A_130 = arith.divsi %squeeze3A_128, %jit3A_129 : i32
    %sign3A_131 = arith.constant 0 : i32
    %sign3A_132 = arith.cmpi sgt, %squeeze3A_128, %sign3A_131 : i32
    %sign3A_133 = arith.extui %sign3A_132 : i1 to i32
    %sign3A_134 = arith.constant 0 : i32
    %sign3A_135 = arith.cmpi slt, %squeeze3A_128, %sign3A_134 : i32
    %sign3A_136 = arith.extui %sign3A_135 : i1 to i32
    %sign3A_137 = arith.subi %sign3A_133, %sign3A_136 : i32
    %sign3A_138 = arith.constant 0 : i32
    %sign3A_139 = arith.cmpi sgt, %jit3A_129, %sign3A_138 : i32
    %sign3A_140 = arith.extui %sign3A_139 : i1 to i32
    %sign3A_141 = arith.constant 0 : i32
    %sign3A_142 = arith.cmpi slt, %jit3A_129, %sign3A_141 : i32
    %sign3A_143 = arith.extui %sign3A_142 : i1 to i32
    %sign3A_144 = arith.subi %sign3A_140, %sign3A_143 : i32
    %ne3A_145 = arith.cmpi ne, %sign3A_137, %sign3A_144 : i32
    %rem3A_146 = arith.remsi %squeeze3A_128, %jit3A_129 : i32
    %ne3A_147 = arith.constant 0 : i32
    %ne3A_148 = arith.cmpi ne, %rem3A_146, %ne3A_147 : i32
    %and3A_149 = arith.andi %ne3A_145, %ne3A_148 : i1
    %sub3A_150 = arith.constant 1 : i32
    %sub3A_151 = arith.subi %div3A_130, %sub3A_150 : i32
    %select_n3A_152 = arith.select %and3A_149, %sub3A_151, %div3A_130 : i32
    %mul3A_153 = arith.constant 128 : i32
    %mul3A_154 = arith.muli %select_n3A_152, %mul3A_153 : i32
    %min3A_155 = arith.constant 999808 : i32
    %min3A_156 = arith.minsi %mul3A_154, %min3A_155 : i32
    %dma_start3A_157 = arith.constant 3 : i32
    %dma_start3A_158 = arith.constant 0 : i32
    %dma_start3A_159 = arith.constant 0 : i32
    %dma_start3A_160 = tpu.memref_slice %arg9[%dma_start3A_157, %dma_start3A_158, %dma_start3A_159] : memref<9x64x128xf32, #tpu.memory_space<vmem>> -> memref<1x64x128xf32, #tpu.memory_space<vmem>>
    %dma_start3A_161 = tpu.memref_squeeze %dma_start3A_160 : memref<1x64x128xf32, #tpu.memory_space<vmem>> -> memref<64x128xf32, #tpu.memory_space<vmem>>
    %dma_start3A_162 = arith.constant 0 : i32
    %dma_start3A_163 = tpu.memref_slice %arg4[%dma_start3A_162, %min3A_156] : memref<64x1000000xf32, #tpu.memory_space<hbm>> -> memref<64x128xf32, #tpu.memory_space<hbm>>
    %dma_start3A_164 = arith.constant 0 : i32
    %dma_start3A_165 = arith.constant 0 : i32
    %dma_start3A_166 = tpu.memref_slice %arg9[%dma_start3A_157, %dma_start3A_164, %dma_start3A_165] : memref<9x64x128xf32, #tpu.memory_space<vmem>> -> memref<1x64x128xf32, #tpu.memory_space<vmem>>
    %dma_start3A_167 = tpu.memref_squeeze %dma_start3A_166 : memref<1x64x128xf32, #tpu.memory_space<vmem>> -> memref<64x128xf32, #tpu.memory_space<vmem>>
    %dma_start3A_168 = arith.constant 0 : i32
    %dma_start3A_169 = tpu.memref_slice %arg4[%dma_start3A_168, %min3A_156] : memref<64x1000000xf32, #tpu.memory_space<hbm>> -> memref<64x128xf32, #tpu.memory_space<hbm>>
    tpu.enqueue_dma source(%dma_start3A_169 : memref<64x128xf32, #tpu.memory_space<hbm>>) target(%dma_start3A_167 : memref<64x128xf32, #tpu.memory_space<vmem>>) target_semaphore(%arg11 : memref<!tpu.dma_semaphore, #tpu.memory_space<semaphore_mem>>)
    %dma_wait3A = arith.constant 0 : i32
    %dma_wait3A_170 = arith.constant 0 : i32
    %dma_wait3A_171 = tpu.memref_slice %arg3[%dma_wait3A, %dma_wait3A_170] : memref<2048x64xf32, #tpu.memory_space<hbm>> -> memref<256x64xf32, #tpu.memory_space<hbm>>
    %dma_wait3A_172 = arith.constant 0 : i32
    %dma_wait3A_173 = arith.constant 0 : i32
    %dma_wait3A_174 = tpu.memref_slice %arg3[%dma_wait3A_172, %dma_wait3A_173] : memref<2048x64xf32, #tpu.memory_space<hbm>> -> memref<256x64xf32, #tpu.memory_space<hbm>>
    tpu.wait_dma2 semaphore(%arg13 : memref<!tpu.dma_semaphore, #tpu.memory_space<semaphore_mem>>) src(%dma_wait3A_174 : memref<256x64xf32, #tpu.memory_space<hbm>>) dst(%arg8 : memref<256x64xf32, #tpu.memory_space<vmem>>)
    %scan3A = arith.constant 0 : i32
    %scan3A_175 = arith.constant 0 : i32
    %scan3A_176 = arith.constant 32 : i32
    %scan3A_177 = arith.addi %scan3A_175, %scan3A_176 : i32
    %scan3A_178 = arith.constant 1 : i32
    %scan3A_179 = scf.for %scan3A_251 = %scan3A_175 to %scan3A_177 step %scan3A_178 iter_args(%scan3A_252 = %scan3A) -> (i32)  : i32 {
      %mul3A_253 = arith.constant 2 : i32
      %mul3A_254 = arith.muli %mul3A_253, %scan3A_251 : i32
      %rem3A_255 = arith.constant 2 : i32
      %rem3A_256 = arith.remsi %scan3A_251, %rem3A_255 : i32
      %gt3A = arith.constant 0 : i32
      %gt3A_257 = arith.cmpi sgt, %scan3A_251, %gt3A : i32
      %convert_element_type3A = arith.extui %gt3A_257 : i1 to i32
      %cond3A = arith.constant 0 : i32
      %cond3A_258 = arith.cmpi ne, %convert_element_type3A, %cond3A : i32
      scf.if %cond3A_258 {
        %dma_wait3A_1565 = arith.constant 0 : i32
        %dma_wait3A_1566 = arith.constant 0 : i32
        %dma_wait3A_1567 = tpu.memref_slice %arg10[%dma_wait3A_1565, %dma_wait3A_1566] : memref<16x64xf32, #tpu.memory_space<vmem>> -> memref<8x64xf32, #tpu.memory_space<vmem>>
        %dma_wait3A_1568 = arith.constant 0 : i32
        %dma_wait3A_1569 = tpu.memref_slice %arg6[%mul3A_2, %dma_wait3A_1568] : memref<8192x64xf32, #tpu.memory_space<hbm>> -> memref<8x64xf32, #tpu.memory_space<hbm>>
        %dma_wait3A_1570 = arith.constant 0 : i32
        %dma_wait3A_1571 = tpu.memref_slice %arg6[%mul3A_2, %dma_wait3A_1570] : memref<8192x64xf32, #tpu.memory_space<hbm>> -> memref<8x64xf32, #tpu.memory_space<hbm>>
        %dma_wait3A_1572 = arith.constant 0 : i32
        %dma_wait3A_1573 = arith.constant 0 : i32
        %dma_wait3A_1574 = tpu.memref_slice %arg10[%dma_wait3A_1572, %dma_wait3A_1573] : memref<16x64xf32, #tpu.memory_space<vmem>> -> memref<8x64xf32, #tpu.memory_space<vmem>>
        tpu.wait_dma2 semaphore(%arg14 : memref<!tpu.dma_semaphore, #tpu.memory_space<semaphore_mem>>) src(%dma_wait3A_1574 : memref<8x64xf32, #tpu.memory_space<vmem>>) dst(%dma_wait3A_1571 : memref<8x64xf32, #tpu.memory_space<hbm>>)
      } else {
      }
      %add3A_259 = arith.constant 1 : i32
      %add3A_260 = arith.addi %mul3A_254, %add3A_259 : i32
      %mul3A_261 = arith.constant 4 : i32
      %mul3A_262 = arith.muli %add3A_260, %mul3A_261 : i32
      %get3A_263 = arith.index_cast %mul3A_262 : i32 to index
      %get3A_264 = tpu.vector_load %arg7[%get3A_263] {strides = array<i32>} : memref<272xi32, #tpu.memory_space<vmem>>, vector<16xi32>,
      %slice3A_265 = vector.extract_strided_slice %get3A_264 {offsets = [0], sizes = [1], strides = [1]} : vector<16xi32> to vector<1xi32>
      %squeeze3A_266 = vector.extract %slice3A_265[0] : i32 from vector<1xi32>
      %jit3A_267 = arith.constant 128 : i32
      %div3A_268 = arith.divsi %squeeze3A_266, %jit3A_267 : i32
      %sign3A_269 = arith.constant 0 : i32
      %sign3A_270 = arith.cmpi sgt, %squeeze3A_266, %sign3A_269 : i32
      %sign3A_271 = arith.extui %sign3A_270 : i1 to i32
      %sign3A_272 = arith.constant 0 : i32
      %sign3A_273 = arith.cmpi slt, %squeeze3A_266, %sign3A_272 : i32
      %sign3A_274 = arith.extui %sign3A_273 : i1 to i32
      %sign3A_275 = arith.subi %sign3A_271, %sign3A_274 : i32
      %sign3A_276 = arith.constant 0 : i32
      %sign3A_277 = arith.cmpi sgt, %jit3A_267, %sign3A_276 : i32
      %sign3A_278 = arith.extui %sign3A_277 : i1 to i32
      %sign3A_279 = arith.constant 0 : i32
      %sign3A_280 = arith.cmpi slt, %jit3A_267, %sign3A_279 : i32
      %sign3A_281 = arith.extui %sign3A_280 : i1 to i32
      %sign3A_282 = arith.subi %sign3A_278, %sign3A_281 : i32
      %ne3A_283 = arith.cmpi ne, %sign3A_275, %sign3A_282 : i32
      %rem3A_284 = arith.remsi %squeeze3A_266, %jit3A_267 : i32
      %ne3A_285 = arith.constant 0 : i32
      %ne3A_286 = arith.cmpi ne, %rem3A_284, %ne3A_285 : i32
      %and3A_287 = arith.andi %ne3A_283, %ne3A_286 : i1
      %sub3A_288 = arith.constant 1 : i32
      %sub3A_289 = arith.subi %div3A_268, %sub3A_288 : i32
      %select_n3A_290 = arith.select %and3A_287, %sub3A_289, %div3A_268 : i32
      %mul3A_291 = arith.constant 128 : i32
      %mul3A_292 = arith.muli %select_n3A_290, %mul3A_291 : i32
      %min3A_293 = arith.constant 999808 : i32
      %min3A_294 = arith.minsi %mul3A_292, %min3A_293 : i32
      %dma_start3A_295 = arith.constant 4 : i32
      %dma_start3A_296 = arith.constant 0 : i32
      %dma_start3A_297 = arith.constant 0 : i32
      %dma_start3A_298 = tpu.memref_slice %arg9[%dma_start3A_295, %dma_start3A_296, %dma_start3A_297] : memref<9x64x128xf32, #tpu.memory_space<vmem>> -> memref<1x64x128xf32, #tpu.memory_space<vmem>>
      %dma_start3A_299 = tpu.memref_squeeze %dma_start3A_298 : memref<1x64x128xf32, #tpu.memory_space<vmem>> -> memref<64x128xf32, #tpu.memory_space<vmem>>
      %dma_start3A_300 = arith.constant 0 : i32
      %dma_start3A_301 = tpu.memref_slice %arg4[%dma_start3A_300, %min3A_294] : memref<64x1000000xf32, #tpu.memory_space<hbm>> -> memref<64x128xf32, #tpu.memory_space<hbm>>
      %dma_start3A_302 = arith.constant 0 : i32
      %dma_start3A_303 = arith.constant 0 : i32
      %dma_start3A_304 = tpu.memref_slice %arg9[%dma_start3A_295, %dma_start3A_302, %dma_start3A_303] : memref<9x64x128xf32, #tpu.memory_space<vmem>> -> memref<1x64x128xf32, #tpu.memory_space<vmem>>
      %dma_start3A_305 = tpu.memref_squeeze %dma_start3A_304 : memref<1x64x128xf32, #tpu.memory_space<vmem>> -> memref<64x128xf32, #tpu.memory_space<vmem>>
      %dma_start3A_306 = arith.constant 0 : i32
      %dma_start3A_307 = tpu.memref_slice %arg4[%dma_start3A_306, %min3A_294] : memref<64x1000000xf32, #tpu.memory_space<hbm>> -> memref<64x128xf32, #tpu.memory_space<hbm>>
      tpu.enqueue_dma source(%dma_start3A_307 : memref<64x128xf32, #tpu.memory_space<hbm>>) target(%dma_start3A_305 : memref<64x128xf32, #tpu.memory_space<vmem>>) target_semaphore(%arg12 : memref<!tpu.dma_semaphore, #tpu.memory_space<semaphore_mem>>)
      %slice3A_308 = vector.extract_strided_slice %get3A_264 {offsets = [1], sizes = [1], strides = [1]} : vector<16xi32> to vector<1xi32>
      %squeeze3A_309 = vector.extract %slice3A_308[0] : i32 from vector<1xi32>
      %jit3A_310 = arith.constant 128 : i32
      %div3A_311 = arith.divsi %squeeze3A_309, %jit3A_310 : i32
      %sign3A_312 = arith.constant 0 : i32
      %sign3A_313 = arith.cmpi sgt, %squeeze3A_309, %sign3A_312 : i32
      %sign3A_314 = arith.extui %sign3A_313 : i1 to i32
      %sign3A_315 = arith.constant 0 : i32
      %sign3A_316 = arith.cmpi slt, %squeeze3A_309, %sign3A_315 : i32
      %sign3A_317 = arith.extui %sign3A_316 : i1 to i32
      %sign3A_318 = arith.subi %sign3A_314, %sign3A_317 : i32
      %sign3A_319 = arith.constant 0 : i32
      %sign3A_320 = arith.cmpi sgt, %jit3A_310, %sign3A_319 : i32
      %sign3A_321 = arith.extui %sign3A_320 : i1 to i32
      %sign3A_322 = arith.constant 0 : i32
      %sign3A_323 = arith.cmpi slt, %jit3A_310, %sign3A_322 : i32
      %sign3A_324 = arith.extui %sign3A_323 : i1 to i32
      %sign3A_325 = arith.subi %sign3A_321, %sign3A_324 : i32
      %ne3A_326 = arith.cmpi ne, %sign3A_318, %sign3A_325 : i32
      %rem3A_327 = arith.remsi %squeeze3A_309, %jit3A_310 : i32
      %ne3A_328 = arith.constant 0 : i32
      %ne3A_329 = arith.cmpi ne, %rem3A_327, %ne3A_328 : i32
      %and3A_330 = arith.andi %ne3A_326, %ne3A_329 : i1
      %sub3A_331 = arith.constant 1 : i32
      %sub3A_332 = arith.subi %div3A_311, %sub3A_331 : i32
      %select_n3A_333 = arith.select %and3A_330, %sub3A_332, %div3A_311 : i32
      %mul3A_334 = arith.constant 128 : i32
      %mul3A_335 = arith.muli %select_n3A_333, %mul3A_334 : i32
      %min3A_336 = arith.constant 999808 : i32
      %min3A_337 = arith.minsi %mul3A_335, %min3A_336 : i32
      %dma_start3A_338 = arith.constant 5 : i32
      %dma_start3A_339 = arith.constant 0 : i32
      %dma_start3A_340 = arith.constant 0 : i32
      %dma_start3A_341 = tpu.memref_slice %arg9[%dma_start3A_338, %dma_start3A_339, %dma_start3A_340] : memref<9x64x128xf32, #tpu.memory_space<vmem>> -> memref<1x64x128xf32, #tpu.memory_space<vmem>>
      %dma_start3A_342 = tpu.memref_squeeze %dma_start3A_341 : memref<1x64x128xf32, #tpu.memory_space<vmem>> -> memref<64x128xf32, #tpu.memory_space<vmem>>
      %dma_start3A_343 = arith.constant 0 : i32
      %dma_start3A_344 = tpu.memref_slice %arg4[%dma_start3A_343, %min3A_337] : memref<64x1000000xf32, #tpu.memory_space<hbm>> -> memref<64x128xf32, #tpu.memory_space<hbm>>
      %dma_start3A_345 = arith.constant 0 : i32
      %dma_start3A_346 = arith.constant 0 : i32
      %dma_start3A_347 = tpu.memref_slice %arg9[%dma_start3A_338, %dma_start3A_345, %dma_start3A_346] : memref<9x64x128xf32, #tpu.memory_space<vmem>> -> memref<1x64x128xf32, #tpu.memory_space<vmem>>
      %dma_start3A_348 = tpu.memref_squeeze %dma_start3A_347 : memref<1x64x128xf32, #tpu.memory_space<vmem>> -> memref<64x128xf32, #tpu.memory_space<vmem>>
      %dma_start3A_349 = arith.constant 0 : i32
      %dma_start3A_350 = tpu.memref_slice %arg4[%dma_start3A_349, %min3A_337] : memref<64x1000000xf32, #tpu.memory_space<hbm>> -> memref<64x128xf32, #tpu.memory_space<hbm>>
      tpu.enqueue_dma source(%dma_start3A_350 : memref<64x128xf32, #tpu.memory_space<hbm>>) target(%dma_start3A_348 : memref<64x128xf32, #tpu.memory_space<vmem>>) target_semaphore(%arg12 : memref<!tpu.dma_semaphore, #tpu.memory_space<semaphore_mem>>)
      %slice3A_351 = vector.extract_strided_slice %get3A_264 {offsets = [2], sizes = [1], strides = [1]} : vector<16xi32> to vector<1xi32>
      %squeeze3A_352 = vector.extract %slice3A_351[0] : i32 from vector<1xi32>
      %jit3A_353 = arith.constant 128 : i32
      %div3A_354 = arith.divsi %squeeze3A_352, %jit3A_353 : i32
      %sign3A_355 = arith.constant 0 : i32
      %sign3A_356 = arith.cmpi sgt, %squeeze3A_352, %sign3A_355 : i32
      %sign3A_357 = arith.extui %sign3A_356 : i1 to i32
      %sign3A_358 = arith.constant 0 : i32
      %sign3A_359 = arith.cmpi slt, %squeeze3A_352, %sign3A_358 : i32
      %sign3A_360 = arith.extui %sign3A_359 : i1 to i32
      %sign3A_361 = arith.subi %sign3A_357, %sign3A_360 : i32
      %sign3A_362 = arith.constant 0 : i32
      %sign3A_363 = arith.cmpi sgt, %jit3A_353, %sign3A_362 : i32
      %sign3A_364 = arith.extui %sign3A_363 : i1 to i32
      %sign3A_365 = arith.constant 0 : i32
      %sign3A_366 = arith.cmpi slt, %jit3A_353, %sign3A_365 : i32
      %sign3A_367 = arith.extui %sign3A_366 : i1 to i32
      %sign3A_368 = arith.subi %sign3A_364, %sign3A_367 : i32
      %ne3A_369 = arith.cmpi ne, %sign3A_361, %sign3A_368 : i32
      %rem3A_370 = arith.remsi %squeeze3A_352, %jit3A_353 : i32
      %ne3A_371 = arith.constant 0 : i32
      %ne3A_372 = arith.cmpi ne, %rem3A_370, %ne3A_371 : i32
      %and3A_373 = arith.andi %ne3A_369, %ne3A_372 : i1
      %sub3A_374 = arith.constant 1 : i32
      %sub3A_375 = arith.subi %div3A_354, %sub3A_374 : i32
      %select_n3A_376 = arith.select %and3A_373, %sub3A_375, %div3A_354 : i32
      %mul3A_377 = arith.constant 128 : i32
      %mul3A_378 = arith.muli %select_n3A_376, %mul3A_377 : i32
      %min3A_379 = arith.constant 999808 : i32
      %min3A_380 = arith.minsi %mul3A_378, %min3A_379 : i32
      %dma_start3A_381 = arith.constant 6 : i32
      %dma_start3A_382 = arith.constant 0 : i32
      %dma_start3A_383 = arith.constant 0 : i32
      %dma_start3A_384 = tpu.memref_slice %arg9[%dma_start3A_381, %dma_start3A_382, %dma_start3A_383] : memref<9x64x128xf32, #tpu.memory_space<vmem>> -> memref<1x64x128xf32, #tpu.memory_space<vmem>>
      %dma_start3A_385 = tpu.memref_squeeze %dma_start3A_384 : memref<1x64x128xf32, #tpu.memory_space<vmem>> -> memref<64x128xf32, #tpu.memory_space<vmem>>
      %dma_start3A_386 = arith.constant 0 : i32
      %dma_start3A_387 = tpu.memref_slice %arg4[%dma_start3A_386, %min3A_380] : memref<64x1000000xf32, #tpu.memory_space<hbm>> -> memref<64x128xf32, #tpu.memory_space<hbm>>
      %dma_start3A_388 = arith.constant 0 : i32
      %dma_start3A_389 = arith.constant 0 : i32
      %dma_start3A_390 = tpu.memref_slice %arg9[%dma_start3A_381, %dma_start3A_388, %dma_start3A_389] : memref<9x64x128xf32, #tpu.memory_space<vmem>> -> memref<1x64x128xf32, #tpu.memory_space<vmem>>
      %dma_start3A_391 = tpu.memref_squeeze %dma_start3A_390 : memref<1x64x128xf32, #tpu.memory_space<vmem>> -> memref<64x128xf32, #tpu.memory_space<vmem>>
      %dma_start3A_392 = arith.constant 0 : i32
      %dma_start3A_393 = tpu.memref_slice %arg4[%dma_start3A_392, %min3A_380] : memref<64x1000000xf32, #tpu.memory_space<hbm>> -> memref<64x128xf32, #tpu.memory_space<hbm>>
      tpu.enqueue_dma source(%dma_start3A_393 : memref<64x128xf32, #tpu.memory_space<hbm>>) target(%dma_start3A_391 : memref<64x128xf32, #tpu.memory_space<vmem>>) target_semaphore(%arg12 : memref<!tpu.dma_semaphore, #tpu.memory_space<semaphore_mem>>)
      %slice3A_394 = vector.extract_strided_slice %get3A_264 {offsets = [3], sizes = [1], strides = [1]} : vector<16xi32> to vector<1xi32>
      %squeeze3A_395 = vector.extract %slice3A_394[0] : i32 from vector<1xi32>
      %jit3A_396 = arith.constant 128 : i32
      %div3A_397 = arith.divsi %squeeze3A_395, %jit3A_396 : i32
      %sign3A_398 = arith.constant 0 : i32
      %sign3A_399 = arith.cmpi sgt, %squeeze3A_395, %sign3A_398 : i32
      %sign3A_400 = arith.extui %sign3A_399 : i1 to i32
      %sign3A_401 = arith.constant 0 : i32
      %sign3A_402 = arith.cmpi slt, %squeeze3A_395, %sign3A_401 : i32
      %sign3A_403 = arith.extui %sign3A_402 : i1 to i32
      %sign3A_404 = arith.subi %sign3A_400, %sign3A_403 : i32
      %sign3A_405 = arith.constant 0 : i32
      %sign3A_406 = arith.cmpi sgt, %jit3A_396, %sign3A_405 : i32
      %sign3A_407 = arith.extui %sign3A_406 : i1 to i32
      %sign3A_408 = arith.constant 0 : i32
      %sign3A_409 = arith.cmpi slt, %jit3A_396, %sign3A_408 : i32
      %sign3A_410 = arith.extui %sign3A_409 : i1 to i32
      %sign3A_411 = arith.subi %sign3A_407, %sign3A_410 : i32
      %ne3A_412 = arith.cmpi ne, %sign3A_404, %sign3A_411 : i32
      %rem3A_413 = arith.remsi %squeeze3A_395, %jit3A_396 : i32
      %ne3A_414 = arith.constant 0 : i32
      %ne3A_415 = arith.cmpi ne, %rem3A_413, %ne3A_414 : i32
      %and3A_416 = arith.andi %ne3A_412, %ne3A_415 : i1
      %sub3A_417 = arith.constant 1 : i32
      %sub3A_418 = arith.subi %div3A_397, %sub3A_417 : i32
      %select_n3A_419 = arith.select %and3A_416, %sub3A_418, %div3A_397 : i32
      %mul3A_420 = arith.constant 128 : i32
      %mul3A_421 = arith.muli %select_n3A_419, %mul3A_420 : i32
      %min3A_422 = arith.constant 999808 : i32
      %min3A_423 = arith.minsi %mul3A_421, %min3A_422 : i32
      %dma_start3A_424 = arith.constant 7 : i32
      %dma_start3A_425 = arith.constant 0 : i32
      %dma_start3A_426 = arith.constant 0 : i32
      %dma_start3A_427 = tpu.memref_slice %arg9[%dma_start3A_424, %dma_start3A_425, %dma_start3A_426] : memref<9x64x128xf32, #tpu.memory_space<vmem>> -> memref<1x64x128xf32, #tpu.memory_space<vmem>>
      %dma_start3A_428 = tpu.memref_squeeze %dma_start3A_427 : memref<1x64x128xf32, #tpu.memory_space<vmem>> -> memref<64x128xf32, #tpu.memory_space<vmem>>
      %dma_start3A_429 = arith.constant 0 : i32
      %dma_start3A_430 = tpu.memref_slice %arg4[%dma_start3A_429, %min3A_423] : memref<64x1000000xf32, #tpu.memory_space<hbm>> -> memref<64x128xf32, #tpu.memory_space<hbm>>
      %dma_start3A_431 = arith.constant 0 : i32
      %dma_start3A_432 = arith.constant 0 : i32
      %dma_start3A_433 = tpu.memref_slice %arg9[%dma_start3A_424, %dma_start3A_431, %dma_start3A_432] : memref<9x64x128xf32, #tpu.memory_space<vmem>> -> memref<1x64x128xf32, #tpu.memory_space<vmem>>
      %dma_start3A_434 = tpu.memref_squeeze %dma_start3A_433 : memref<1x64x128xf32, #tpu.memory_space<vmem>> -> memref<64x128xf32, #tpu.memory_space<vmem>>
      %dma_start3A_435 = arith.constant 0 : i32
      %dma_start3A_436 = tpu.memref_slice %arg4[%dma_start3A_435, %min3A_423] : memref<64x1000000xf32, #tpu.memory_space<hbm>> -> memref<64x128xf32, #tpu.memory_space<hbm>>
      tpu.enqueue_dma source(%dma_start3A_436 : memref<64x128xf32, #tpu.memory_space<hbm>>) target(%dma_start3A_434 : memref<64x128xf32, #tpu.memory_space<vmem>>) target_semaphore(%arg12 : memref<!tpu.dma_semaphore, #tpu.memory_space<semaphore_mem>>)
      %mul3A_437 = arith.constant 4 : i32
      %mul3A_438 = arith.muli %mul3A_254, %mul3A_437 : i32
      %get3A_439 = arith.index_cast %mul3A_438 : i32 to index
      %get3A_440 = tpu.vector_load %arg7[%get3A_439] {strides = array<i32>} : memref<272xi32, #tpu.memory_space<vmem>>, vector<16xi32>,
      %dma_wait3A_441 = arith.constant 0 : i32
      %dma_wait3A_442 = arith.constant 0 : i32
      %dma_wait3A_443 = arith.constant 0 : i32
      %dma_wait3A_444 = tpu.memref_slice %arg9[%dma_wait3A_441, %dma_wait3A_442, %dma_wait3A_443] : memref<9x64x128xf32, #tpu.memory_space<vmem>> -> memref<1x64x128xf32, #tpu.memory_space<vmem>>
      %dma_wait3A_445 = tpu.memref_squeeze %dma_wait3A_444 : memref<1x64x128xf32, #tpu.memory_space<vmem>> -> memref<64x128xf32, #tpu.memory_space<vmem>>
      %dma_wait3A_446 = arith.constant 0 : i32
      %dma_wait3A_447 = arith.constant 0 : i32
      %dma_wait3A_448 = tpu.memref_slice %arg4[%dma_wait3A_446, %dma_wait3A_447] : memref<64x1000000xf32, #tpu.memory_space<hbm>> -> memref<64x128xf32, #tpu.memory_space<hbm>>
      %dma_wait3A_449 = arith.constant 0 : i32
      %dma_wait3A_450 = arith.constant 0 : i32
      %dma_wait3A_451 = tpu.memref_slice %arg9[%dma_wait3A_441, %dma_wait3A_449, %dma_wait3A_450] : memref<9x64x128xf32, #tpu.memory_space<vmem>> -> memref<1x64x128xf32, #tpu.memory_space<vmem>>
      %dma_wait3A_452 = tpu.memref_squeeze %dma_wait3A_451 : memref<1x64x128xf32, #tpu.memory_space<vmem>> -> memref<64x128xf32, #tpu.memory_space<vmem>>
      %dma_wait3A_453 = arith.constant 0 : i32
      %dma_wait3A_454 = arith.constant 0 : i32
      %dma_wait3A_455 = tpu.memref_slice %arg4[%dma_wait3A_453, %dma_wait3A_454] : memref<64x1000000xf32, #tpu.memory_space<hbm>> -> memref<64x128xf32, #tpu.memory_space<hbm>>
      tpu.wait_dma2 semaphore(%arg11 : memref<!tpu.dma_semaphore, #tpu.memory_space<semaphore_mem>>) src(%dma_wait3A_455 : memref<64x128xf32, #tpu.memory_space<hbm>>) dst(%dma_wait3A_452 : memref<64x128xf32, #tpu.memory_space<vmem>>)
      %dma_wait3A_456 = arith.constant 1 : i32
      %dma_wait3A_457 = arith.constant 0 : i32
      %dma_wait3A_458 = arith.constant 0 : i32
      %dma_wait3A_459 = tpu.memref_slice %arg9[%dma_wait3A_456, %dma_wait3A_457, %dma_wait3A_458] : memref<9x64x128xf32, #tpu.memory_space<vmem>> -> memref<1x64x128xf32, #tpu.memory_space<vmem>>
      %dma_wait3A_460 = tpu.memref_squeeze %dma_wait3A_459 : memref<1x64x128xf32, #tpu.memory_space<vmem>> -> memref<64x128xf32, #tpu.memory_space<vmem>>
      %dma_wait3A_461 = arith.constant 0 : i32
      %dma_wait3A_462 = arith.constant 0 : i32
      %dma_wait3A_463 = tpu.memref_slice %arg4[%dma_wait3A_461, %dma_wait3A_462] : memref<64x1000000xf32, #tpu.memory_space<hbm>> -> memref<64x128xf32, #tpu.memory_space<hbm>>
      %dma_wait3A_464 = arith.constant 0 : i32
      %dma_wait3A_465 = arith.constant 0 : i32
      %dma_wait3A_466 = tpu.memref_slice %arg9[%dma_wait3A_456, %dma_wait3A_464, %dma_wait3A_465] : memref<9x64x128xf32, #tpu.memory_space<vmem>> -> memref<1x64x128xf32, #tpu.memory_space<vmem>>
      %dma_wait3A_467 = tpu.memref_squeeze %dma_wait3A_466 : memref<1x64x128xf32, #tpu.memory_space<vmem>> -> memref<64x128xf32, #tpu.memory_space<vmem>>
      %dma_wait3A_468 = arith.constant 0 : i32
      %dma_wait3A_469 = arith.constant 0 : i32
      %dma_wait3A_470 = tpu.memref_slice %arg4[%dma_wait3A_468, %dma_wait3A_469] : memref<64x1000000xf32, #tpu.memory_space<hbm>> -> memref<64x128xf32, #tpu.memory_space<hbm>>
      tpu.wait_dma2 semaphore(%arg11 : memref<!tpu.dma_semaphore, #tpu.memory_space<semaphore_mem>>) src(%dma_wait3A_470 : memref<64x128xf32, #tpu.memory_space<hbm>>) dst(%dma_wait3A_467 : memref<64x128xf32, #tpu.memory_space<vmem>>)
      %dma_wait3A_471 = arith.constant 2 : i32
      %dma_wait3A_472 = arith.constant 0 : i32
      %dma_wait3A_473 = arith.constant 0 : i32
      %dma_wait3A_474 = tpu.memref_slice %arg9[%dma_wait3A_471, %dma_wait3A_472, %dma_wait3A_473] : memref<9x64x128xf32, #tpu.memory_space<vmem>> -> memref<1x64x128xf32, #tpu.memory_space<vmem>>
      %dma_wait3A_475 = tpu.memref_squeeze %dma_wait3A_474 : memref<1x64x128xf32, #tpu.memory_space<vmem>> -> memref<64x128xf32, #tpu.memory_space<vmem>>
      %dma_wait3A_476 = arith.constant 0 : i32
      %dma_wait3A_477 = arith.constant 0 : i32
      %dma_wait3A_478 = tpu.memref_slice %arg4[%dma_wait3A_476, %dma_wait3A_477] : memref<64x1000000xf32, #tpu.memory_space<hbm>> -> memref<64x128xf32, #tpu.memory_space<hbm>>
      %dma_wait3A_479 = arith.constant 0 : i32
      %dma_wait3A_480 = arith.constant 0 : i32
      %dma_wait3A_481 = tpu.memref_slice %arg9[%dma_wait3A_471, %dma_wait3A_479, %dma_wait3A_480] : memref<9x64x128xf32, #tpu.memory_space<vmem>> -> memref<1x64x128xf32, #tpu.memory_space<vmem>>
      %dma_wait3A_482 = tpu.memref_squeeze %dma_wait3A_481 : memref<1x64x128xf32, #tpu.memory_space<vmem>> -> memref<64x128xf32, #tpu.memory_space<vmem>>
      %dma_wait3A_483 = arith.constant 0 : i32
      %dma_wait3A_484 = arith.constant 0 : i32
      %dma_wait3A_485 = tpu.memref_slice %arg4[%dma_wait3A_483, %dma_wait3A_484] : memref<64x1000000xf32, #tpu.memory_space<hbm>> -> memref<64x128xf32, #tpu.memory_space<hbm>>
      tpu.wait_dma2 semaphore(%arg11 : memref<!tpu.dma_semaphore, #tpu.memory_space<semaphore_mem>>) src(%dma_wait3A_485 : memref<64x128xf32, #tpu.memory_space<hbm>>) dst(%dma_wait3A_482 : memref<64x128xf32, #tpu.memory_space<vmem>>)
      %dma_wait3A_486 = arith.constant 3 : i32
      %dma_wait3A_487 = arith.constant 0 : i32
      %dma_wait3A_488 = arith.constant 0 : i32
      %dma_wait3A_489 = tpu.memref_slice %arg9[%dma_wait3A_486, %dma_wait3A_487, %dma_wait3A_488] : memref<9x64x128xf32, #tpu.memory_space<vmem>> -> memref<1x64x128xf32, #tpu.memory_space<vmem>>
      %dma_wait3A_490 = tpu.memref_squeeze %dma_wait3A_489 : memref<1x64x128xf32, #tpu.memory_space<vmem>> -> memref<64x128xf32, #tpu.memory_space<vmem>>
      %dma_wait3A_491 = arith.constant 0 : i32
      %dma_wait3A_492 = arith.constant 0 : i32
      %dma_wait3A_493 = tpu.memref_slice %arg4[%dma_wait3A_491, %dma_wait3A_492] : memref<64x1000000xf32, #tpu.memory_space<hbm>> -> memref<64x128xf32, #tpu.memory_space<hbm>>
      %dma_wait3A_494 = arith.constant 0 : i32
      %dma_wait3A_495 = arith.constant 0 : i32
      %dma_wait3A_496 = tpu.memref_slice %arg9[%dma_wait3A_486, %dma_wait3A_494, %dma_wait3A_495] : memref<9x64x128xf32, #tpu.memory_space<vmem>> -> memref<1x64x128xf32, #tpu.memory_space<vmem>>
      %dma_wait3A_497 = tpu.memref_squeeze %dma_wait3A_496 : memref<1x64x128xf32, #tpu.memory_space<vmem>> -> memref<64x128xf32, #tpu.memory_space<vmem>>
      %dma_wait3A_498 = arith.constant 0 : i32
      %dma_wait3A_499 = arith.constant 0 : i32
      %dma_wait3A_500 = tpu.memref_slice %arg4[%dma_wait3A_498, %dma_wait3A_499] : memref<64x1000000xf32, #tpu.memory_space<hbm>> -> memref<64x128xf32, #tpu.memory_space<hbm>>
      tpu.wait_dma2 semaphore(%arg11 : memref<!tpu.dma_semaphore, #tpu.memory_space<semaphore_mem>>) src(%dma_wait3A_500 : memref<64x128xf32, #tpu.memory_space<hbm>>) dst(%dma_wait3A_497 : memref<64x128xf32, #tpu.memory_space<vmem>>)
      %slice3A_501 = vector.extract_strided_slice %get3A_440 {offsets = [0], sizes = [1], strides = [1]} : vector<16xi32> to vector<1xi32>
      %squeeze3A_502 = vector.extract %slice3A_501[0] : i32 from vector<1xi32>
      %ge3A = arith.constant 999936 : i32
      %ge3A_503 = arith.cmpi sge, %squeeze3A_502, %ge3A : i32
      %slice3A_504 = vector.extract_strided_slice %get3A_440 {offsets = [0], sizes = [1], strides = [1]} : vector<16xi32> to vector<1xi32>
      %squeeze3A_505 = vector.extract %slice3A_504[0] : i32 from vector<1xi32>
      %jit3A_506 = arith.constant 128 : i32
      %div3A_507 = arith.divsi %squeeze3A_505, %jit3A_506 : i32
      %sign3A_508 = arith.constant 0 : i32
      %sign3A_509 = arith.cmpi sgt, %squeeze3A_505, %sign3A_508 : i32
      %sign3A_510 = arith.extui %sign3A_509 : i1 to i32
      %sign3A_511 = arith.constant 0 : i32
      %sign3A_512 = arith.cmpi slt, %squeeze3A_505, %sign3A_511 : i32
      %sign3A_513 = arith.extui %sign3A_512 : i1 to i32
      %sign3A_514 = arith.subi %sign3A_510, %sign3A_513 : i32
      %sign3A_515 = arith.constant 0 : i32
      %sign3A_516 = arith.cmpi sgt, %jit3A_506, %sign3A_515 : i32
      %sign3A_517 = arith.extui %sign3A_516 : i1 to i32
      %sign3A_518 = arith.constant 0 : i32
      %sign3A_519 = arith.cmpi slt, %jit3A_506, %sign3A_518 : i32
      %sign3A_520 = arith.extui %sign3A_519 : i1 to i32
      %sign3A_521 = arith.subi %sign3A_517, %sign3A_520 : i32
      %ne3A_522 = arith.cmpi ne, %sign3A_514, %sign3A_521 : i32
      %rem3A_523 = arith.remsi %squeeze3A_505, %jit3A_506 : i32
      %ne3A_524 = arith.constant 0 : i32
      %ne3A_525 = arith.cmpi ne, %rem3A_523, %ne3A_524 : i32
      %and3A_526 = arith.andi %ne3A_522, %ne3A_525 : i1
      %sub3A_527 = arith.constant 1 : i32
      %sub3A_528 = arith.subi %div3A_507, %sub3A_527 : i32
      %select_n3A_529 = arith.select %and3A_526, %sub3A_528, %div3A_507 : i32
      %mul3A_530 = arith.constant 128 : i32
      %mul3A_531 = arith.muli %select_n3A_529, %mul3A_530 : i32
      %min3A_532 = arith.constant 999808 : i32
      %min3A_533 = arith.minsi %mul3A_531, %min3A_532 : i32
      %jit3A_534 = arith.constant 8 : i32
      %jit3A_535 = arith.constant 0 : i32
      %select_n3A_536 = arith.select %ge3A_503, %jit3A_534, %jit3A_535 : i32
      %broadcast_in_dim3A = vector.broadcast %select_n3A_536 : i32 to vector<16xi32>
      %slice3A_537 = vector.extract_strided_slice %get3A_440 {offsets = [0], sizes = [1], strides = [1]} : vector<16xi32> to vector<1xi32>
      %squeeze3A_538 = vector.extract %slice3A_537[0] : i32 from vector<1xi32>
      %sub3A_539 = arith.constant 999936 : i32
      %sub3A_540 = arith.subi %squeeze3A_538, %sub3A_539 : i32
      %slice3A_541 = vector.extract_strided_slice %get3A_440 {offsets = [0], sizes = [1], strides = [1]} : vector<16xi32> to vector<1xi32>
      %squeeze3A_542 = vector.extract %slice3A_541[0] : i32 from vector<1xi32>
      %sub3A_543 = arith.subi %squeeze3A_542, %min3A_533 : i32
      %select_n3A_544 = arith.select %ge3A_503, %sub3A_540, %sub3A_543 : i32
      %broadcast_in_dim3A_545 = vector.broadcast %select_n3A_544 : i32 to vector<16xi32>
      %mul3A_546 = arith.constant 4 : i32
      %mul3A_547 = arith.muli %mul3A_254, %mul3A_546 : i32
      %add3A_548 = arith.constant 0 : i32
      %add3A_549 = arith.addi %mul3A_547, %add3A_548 : i32
      %mul3A_550 = arith.constant 8 : i32
      %mul3A_551 = arith.muli %rem3A_256, %mul3A_550 : i32
      %add3A_552 = arith.constant 0 : i32
      %add3A_553 = arith.addi %mul3A_551, %add3A_552 : i32
      %add3A_554 = arith.constant 0 : i32
      %add3A_555 = arith.addi %add3A_553, %add3A_554 : i32
      %add3A_556 = arith.constant 0 : i32
      %add3A_557 = vector.broadcast %add3A_556 : i32 to vector<16xi32>
      %add3A_558 = arith.addi %iota3A, %add3A_557 : vector<16xi32>
      %gather3A = tpu.vector_load_idx %arg9[%broadcast_in_dim3A, %add3A_558, %broadcast_in_dim3A_545] : memref<9x64x128xf32, #tpu.memory_space<vmem>>[vector<16xi32>, vector<16xi32>, vector<16xi32>], vector<16xf32>,
      %get3A_559 = arith.index_cast %add3A_549 : i32 to index
      %get3A_560 = arith.constant 0 : index
      %get3A_561 = tpu.vector_load %arg8[%get3A_559, %get3A_560] {strides = array<i32>} : memref<256x64xf32, #tpu.memory_space<vmem>>, vector<16xf32>,
      %add3A_562 = arith.addf %gather3A, %get3A_561 : vector<16xf32>
      %swap3A = arith.index_cast %add3A_555 : i32 to index
      %swap3A_563 = arith.constant 0 : index
      %swap3A_564 = tpu.vector_load %arg10[%swap3A, %swap3A_563] {strides = array<i32>} : memref<16x64xf32, #tpu.memory_space<vmem>>, vector<16xf32>,
      tpu.vector_store %arg10[%swap3A, %swap3A_563], %add3A_562 {strides = array<i32>} : memref<16x64xf32, #tpu.memory_space<vmem>>, vector<16xf32>,
      %add3A_565 = arith.constant 16 : i32
      %add3A_566 = vector.broadcast %add3A_565 : i32 to vector<16xi32>
      %add3A_567 = arith.addi %iota3A, %add3A_566 : vector<16xi32>
      %gather3A_568 = tpu.vector_load_idx %arg9[%broadcast_in_dim3A, %add3A_567, %broadcast_in_dim3A_545] : memref<9x64x128xf32, #tpu.memory_space<vmem>>[vector<16xi32>, vector<16xi32>, vector<16xi32>], vector<16xf32>,
      %get3A_569 = arith.index_cast %add3A_549 : i32 to index
      %get3A_570 = arith.constant 16 : index
      %get3A_571 = tpu.vector_load %arg8[%get3A_569, %get3A_570] {strides = array<i32>} : memref<256x64xf32, #tpu.memory_space<vmem>>, vector<16xf32>,
      %add3A_572 = arith.addf %gather3A_568, %get3A_571 : vector<16xf32>
      %swap3A_573 = arith.index_cast %add3A_555 : i32 to index
      %swap3A_574 = arith.constant 16 : index
      %swap3A_575 = tpu.vector_load %arg10[%swap3A_573, %swap3A_574] {strides = array<i32>} : memref<16x64xf32, #tpu.memory_space<vmem>>, vector<16xf32>,
      tpu.vector_store %arg10[%swap3A_573, %swap3A_574], %add3A_572 {strides = array<i32>} : memref<16x64xf32, #tpu.memory_space<vmem>>, vector<16xf32>,
      %add3A_576 = arith.constant 32 : i32
      %add3A_577 = vector.broadcast %add3A_576 : i32 to vector<16xi32>
      %add3A_578 = arith.addi %iota3A, %add3A_577 : vector<16xi32>
      %gather3A_579 = tpu.vector_load_idx %arg9[%broadcast_in_dim3A, %add3A_578, %broadcast_in_dim3A_545] : memref<9x64x128xf32, #tpu.memory_space<vmem>>[vector<16xi32>, vector<16xi32>, vector<16xi32>], vector<16xf32>,
      %get3A_580 = arith.index_cast %add3A_549 : i32 to index
      %get3A_581 = arith.constant 32 : index
      %get3A_582 = tpu.vector_load %arg8[%get3A_580, %get3A_581] {strides = array<i32>} : memref<256x64xf32, #tpu.memory_space<vmem>>, vector<16xf32>,
      %add3A_583 = arith.addf %gather3A_579, %get3A_582 : vector<16xf32>
      %swap3A_584 = arith.index_cast %add3A_555 : i32 to index
      %swap3A_585 = arith.constant 32 : index
      %swap3A_586 = tpu.vector_load %arg10[%swap3A_584, %swap3A_585] {strides = array<i32>} : memref<16x64xf32, #tpu.memory_space<vmem>>, vector<16xf32>,
      tpu.vector_store %arg10[%swap3A_584, %swap3A_585], %add3A_583 {strides = array<i32>} : memref<16x64xf32, #tpu.memory_space<vmem>>, vector<16xf32>,
      %add3A_587 = arith.constant 48 : i32
      %add3A_588 = vector.broadcast %add3A_587 : i32 to vector<16xi32>
      %add3A_589 = arith.addi %iota3A, %add3A_588 : vector<16xi32>
      %gather3A_590 = tpu.vector_load_idx %arg9[%broadcast_in_dim3A, %add3A_589, %broadcast_in_dim3A_545] : memref<9x64x128xf32, #tpu.memory_space<vmem>>[vector<16xi32>, vector<16xi32>, vector<16xi32>], vector<16xf32>,
      %get3A_591 = arith.index_cast %add3A_549 : i32 to index
      %get3A_592 = arith.constant 48 : index
      %get3A_593 = tpu.vector_load %arg8[%get3A_591, %get3A_592] {strides = array<i32>} : memref<256x64xf32, #tpu.memory_space<vmem>>, vector<16xf32>,
      %add3A_594 = arith.addf %gather3A_590, %get3A_593 : vector<16xf32>
      %swap3A_595 = arith.index_cast %add3A_555 : i32 to index
      %swap3A_596 = arith.constant 48 : index
      %swap3A_597 = tpu.vector_load %arg10[%swap3A_595, %swap3A_596] {strides = array<i32>} : memref<16x64xf32, #tpu.memory_space<vmem>>, vector<16xf32>,
      tpu.vector_store %arg10[%swap3A_595, %swap3A_596], %add3A_594 {strides = array<i32>} : memref<16x64xf32, #tpu.memory_space<vmem>>, vector<16xf32>,
      %slice3A_598 = vector.extract_strided_slice %get3A_440 {offsets = [1], sizes = [1], strides = [1]} : vector<16xi32> to vector<1xi32>
      %squeeze3A_599 = vector.extract %slice3A_598[0] : i32 from vector<1xi32>
      %ge3A_600 = arith.constant 999936 : i32
      %ge3A_601 = arith.cmpi sge, %squeeze3A_599, %ge3A_600 : i32
      %slice3A_602 = vector.extract_strided_slice %get3A_440 {offsets = [1], sizes = [1], strides = [1]} : vector<16xi32> to vector<1xi32>
      %squeeze3A_603 = vector.extract %slice3A_602[0] : i32 from vector<1xi32>
      %jit3A_604 = arith.constant 128 : i32
      %div3A_605 = arith.divsi %squeeze3A_603, %jit3A_604 : i32
      %sign3A_606 = arith.constant 0 : i32
      %sign3A_607 = arith.cmpi sgt, %squeeze3A_603, %sign3A_606 : i32
      %sign3A_608 = arith.extui %sign3A_607 : i1 to i32
      %sign3A_609 = arith.constant 0 : i32
      %sign3A_610 = arith.cmpi slt, %squeeze3A_603, %sign3A_609 : i32
      %sign3A_611 = arith.extui %sign3A_610 : i1 to i32
      %sign3A_612 = arith.subi %sign3A_608, %sign3A_611 : i32
      %sign3A_613 = arith.constant 0 : i32
      %sign3A_614 = arith.cmpi sgt, %jit3A_604, %sign3A_613 : i32
      %sign3A_615 = arith.extui %sign3A_614 : i1 to i32
      %sign3A_616 = arith.constant 0 : i32
      %sign3A_617 = arith.cmpi slt, %jit3A_604, %sign3A_616 : i32
      %sign3A_618 = arith.extui %sign3A_617 : i1 to i32
      %sign3A_619 = arith.subi %sign3A_615, %sign3A_618 : i32
      %ne3A_620 = arith.cmpi ne, %sign3A_612, %sign3A_619 : i32
      %rem3A_621 = arith.remsi %squeeze3A_603, %jit3A_604 : i32
      %ne3A_622 = arith.constant 0 : i32
      %ne3A_623 = arith.cmpi ne, %rem3A_621, %ne3A_622 : i32
      %and3A_624 = arith.andi %ne3A_620, %ne3A_623 : i1
      %sub3A_625 = arith.constant 1 : i32
      %sub3A_626 = arith.subi %div3A_605, %sub3A_625 : i32
      %select_n3A_627 = arith.select %and3A_624, %sub3A_626, %div3A_605 : i32
      %mul3A_628 = arith.constant 128 : i32
      %mul3A_629 = arith.muli %select_n3A_627, %mul3A_628 : i32
      %min3A_630 = arith.constant 999808 : i32
      %min3A_631 = arith.minsi %mul3A_629, %min3A_630 : i32
      %jit3A_632 = arith.constant 8 : i32
      %jit3A_633 = arith.constant 1 : i32
      %select_n3A_634 = arith.select %ge3A_601, %jit3A_632, %jit3A_633 : i32
      %broadcast_in_dim3A_635 = vector.broadcast %select_n3A_634 : i32 to vector<16xi32>
      %slice3A_636 = vector.extract_strided_slice %get3A_440 {offsets = [1], sizes = [1], strides = [1]} : vector<16xi32> to vector<1xi32>
      %squeeze3A_637 = vector.extract %slice3A_636[0] : i32 from vector<1xi32>
      %sub3A_638 = arith.constant 999936 : i32
      %sub3A_639 = arith.subi %squeeze3A_637, %sub3A_638 : i32
      %slice3A_640 = vector.extract_strided_slice %get3A_440 {offsets = [1], sizes = [1], strides = [1]} : vector<16xi32> to vector<1xi32>
      %squeeze3A_641 = vector.extract %slice3A_640[0] : i32 from vector<1xi32>
      %sub3A_642 = arith.subi %squeeze3A_641, %min3A_631 : i32
      %select_n3A_643 = arith.select %ge3A_601, %sub3A_639, %sub3A_642 : i32
      %broadcast_in_dim3A_644 = vector.broadcast %select_n3A_643 : i32 to vector<16xi32>
      %mul3A_645 = arith.constant 4 : i32
      %mul3A_646 = arith.muli %mul3A_254, %mul3A_645 : i32
      %add3A_647 = arith.constant 1 : i32
      %add3A_648 = arith.addi %mul3A_646, %add3A_647 : i32
      %mul3A_649 = arith.constant 8 : i32
      %mul3A_650 = arith.muli %rem3A_256, %mul3A_649 : i32
      %add3A_651 = arith.constant 0 : i32
      %add3A_652 = arith.addi %mul3A_650, %add3A_651 : i32
      %add3A_653 = arith.constant 1 : i32
      %add3A_654 = arith.addi %add3A_652, %add3A_653 : i32
      %add3A_655 = arith.constant 0 : i32
      %add3A_656 = vector.broadcast %add3A_655 : i32 to vector<16xi32>
      %add3A_657 = arith.addi %iota3A, %add3A_656 : vector<16xi32>
      %gather3A_658 = tpu.vector_load_idx %arg9[%broadcast_in_dim3A_635, %add3A_657, %broadcast_in_dim3A_644] : memref<9x64x128xf32, #tpu.memory_space<vmem>>[vector<16xi32>, vector<16xi32>, vector<16xi32>], vector<16xf32>,
      %get3A_659 = arith.index_cast %add3A_648 : i32 to index
      %get3A_660 = arith.constant 0 : index
      %get3A_661 = tpu.vector_load %arg8[%get3A_659, %get3A_660] {strides = array<i32>} : memref<256x64xf32, #tpu.memory_space<vmem>>, vector<16xf32>,
      %add3A_662 = arith.addf %gather3A_658, %get3A_661 : vector<16xf32>
      %swap3A_663 = arith.index_cast %add3A_654 : i32 to index
      %swap3A_664 = arith.constant 0 : index
      %swap3A_665 = tpu.vector_load %arg10[%swap3A_663, %swap3A_664] {strides = array<i32>} : memref<16x64xf32, #tpu.memory_space<vmem>>, vector<16xf32>,
      tpu.vector_store %arg10[%swap3A_663, %swap3A_664], %add3A_662 {strides = array<i32>} : memref<16x64xf32, #tpu.memory_space<vmem>>, vector<16xf32>,
      %add3A_666 = arith.constant 16 : i32
      %add3A_667 = vector.broadcast %add3A_666 : i32 to vector<16xi32>
      %add3A_668 = arith.addi %iota3A, %add3A_667 : vector<16xi32>
      %gather3A_669 = tpu.vector_load_idx %arg9[%broadcast_in_dim3A_635, %add3A_668, %broadcast_in_dim3A_644] : memref<9x64x128xf32, #tpu.memory_space<vmem>>[vector<16xi32>, vector<16xi32>, vector<16xi32>], vector<16xf32>,
      %get3A_670 = arith.index_cast %add3A_648 : i32 to index
      %get3A_671 = arith.constant 16 : index
      %get3A_672 = tpu.vector_load %arg8[%get3A_670, %get3A_671] {strides = array<i32>} : memref<256x64xf32, #tpu.memory_space<vmem>>, vector<16xf32>,
      %add3A_673 = arith.addf %gather3A_669, %get3A_672 : vector<16xf32>
      %swap3A_674 = arith.index_cast %add3A_654 : i32 to index
      %swap3A_675 = arith.constant 16 : index
      %swap3A_676 = tpu.vector_load %arg10[%swap3A_674, %swap3A_675] {strides = array<i32>} : memref<16x64xf32, #tpu.memory_space<vmem>>, vector<16xf32>,
      tpu.vector_store %arg10[%swap3A_674, %swap3A_675], %add3A_673 {strides = array<i32>} : memref<16x64xf32, #tpu.memory_space<vmem>>, vector<16xf32>,
      %add3A_677 = arith.constant 32 : i32
      %add3A_678 = vector.broadcast %add3A_677 : i32 to vector<16xi32>
      %add3A_679 = arith.addi %iota3A, %add3A_678 : vector<16xi32>
      %gather3A_680 = tpu.vector_load_idx %arg9[%broadcast_in_dim3A_635, %add3A_679, %broadcast_in_dim3A_644] : memref<9x64x128xf32, #tpu.memory_space<vmem>>[vector<16xi32>, vector<16xi32>, vector<16xi32>], vector<16xf32>,
      %get3A_681 = arith.index_cast %add3A_648 : i32 to index
      %get3A_682 = arith.constant 32 : index
      %get3A_683 = tpu.vector_load %arg8[%get3A_681, %get3A_682] {strides = array<i32>} : memref<256x64xf32, #tpu.memory_space<vmem>>, vector<16xf32>,
      %add3A_684 = arith.addf %gather3A_680, %get3A_683 : vector<16xf32>
      %swap3A_685 = arith.index_cast %add3A_654 : i32 to index
      %swap3A_686 = arith.constant 32 : index
      %swap3A_687 = tpu.vector_load %arg10[%swap3A_685, %swap3A_686] {strides = array<i32>} : memref<16x64xf32, #tpu.memory_space<vmem>>, vector<16xf32>,
      tpu.vector_store %arg10[%swap3A_685, %swap3A_686], %add3A_684 {strides = array<i32>} : memref<16x64xf32, #tpu.memory_space<vmem>>, vector<16xf32>,
      %add3A_688 = arith.constant 48 : i32
      %add3A_689 = vector.broadcast %add3A_688 : i32 to vector<16xi32>
      %add3A_690 = arith.addi %iota3A, %add3A_689 : vector<16xi32>
      %gather3A_691 = tpu.vector_load_idx %arg9[%broadcast_in_dim3A_635, %add3A_690, %broadcast_in_dim3A_644] : memref<9x64x128xf32, #tpu.memory_space<vmem>>[vector<16xi32>, vector<16xi32>, vector<16xi32>], vector<16xf32>,
      %get3A_692 = arith.index_cast %add3A_648 : i32 to index
      %get3A_693 = arith.constant 48 : index
      %get3A_694 = tpu.vector_load %arg8[%get3A_692, %get3A_693] {strides = array<i32>} : memref<256x64xf32, #tpu.memory_space<vmem>>, vector<16xf32>,
      %add3A_695 = arith.addf %gather3A_691, %get3A_694 : vector<16xf32>
      %swap3A_696 = arith.index_cast %add3A_654 : i32 to index
      %swap3A_697 = arith.constant 48 : index
      %swap3A_698 = tpu.vector_load %arg10[%swap3A_696, %swap3A_697] {strides = array<i32>} : memref<16x64xf32, #tpu.memory_space<vmem>>, vector<16xf32>,
      tpu.vector_store %arg10[%swap3A_696, %swap3A_697], %add3A_695 {strides = array<i32>} : memref<16x64xf32, #tpu.memory_space<vmem>>, vector<16xf32>,
      %slice3A_699 = vector.extract_strided_slice %get3A_440 {offsets = [2], sizes = [1], strides = [1]} : vector<16xi32> to vector<1xi32>
      %squeeze3A_700 = vector.extract %slice3A_699[0] : i32 from vector<1xi32>
      %ge3A_701 = arith.constant 999936 : i32
      %ge3A_702 = arith.cmpi sge, %squeeze3A_700, %ge3A_701 : i32
      %slice3A_703 = vector.extract_strided_slice %get3A_440 {offsets = [2], sizes = [1], strides = [1]} : vector<16xi32> to vector<1xi32>
      %squeeze3A_704 = vector.extract %slice3A_703[0] : i32 from vector<1xi32>
      %jit3A_705 = arith.constant 128 : i32
      %div3A_706 = arith.divsi %squeeze3A_704, %jit3A_705 : i32
      %sign3A_707 = arith.constant 0 : i32
      %sign3A_708 = arith.cmpi sgt, %squeeze3A_704, %sign3A_707 : i32
      %sign3A_709 = arith.extui %sign3A_708 : i1 to i32
      %sign3A_710 = arith.constant 0 : i32
      %sign3A_711 = arith.cmpi slt, %squeeze3A_704, %sign3A_710 : i32
      %sign3A_712 = arith.extui %sign3A_711 : i1 to i32
      %sign3A_713 = arith.subi %sign3A_709, %sign3A_712 : i32
      %sign3A_714 = arith.constant 0 : i32
      %sign3A_715 = arith.cmpi sgt, %jit3A_705, %sign3A_714 : i32
      %sign3A_716 = arith.extui %sign3A_715 : i1 to i32
      %sign3A_717 = arith.constant 0 : i32
      %sign3A_718 = arith.cmpi slt, %jit3A_705, %sign3A_717 : i32
      %sign3A_719 = arith.extui %sign3A_718 : i1 to i32
      %sign3A_720 = arith.subi %sign3A_716, %sign3A_719 : i32
      %ne3A_721 = arith.cmpi ne, %sign3A_713, %sign3A_720 : i32
      %rem3A_722 = arith.remsi %squeeze3A_704, %jit3A_705 : i32
      %ne3A_723 = arith.constant 0 : i32
      %ne3A_724 = arith.cmpi ne, %rem3A_722, %ne3A_723 : i32
      %and3A_725 = arith.andi %ne3A_721, %ne3A_724 : i1
      %sub3A_726 = arith.constant 1 : i32
      %sub3A_727 = arith.subi %div3A_706, %sub3A_726 : i32
      %select_n3A_728 = arith.select %and3A_725, %sub3A_727, %div3A_706 : i32
      %mul3A_729 = arith.constant 128 : i32
      %mul3A_730 = arith.muli %select_n3A_728, %mul3A_729 : i32
      %min3A_731 = arith.constant 999808 : i32
      %min3A_732 = arith.minsi %mul3A_730, %min3A_731 : i32
      %jit3A_733 = arith.constant 8 : i32
      %jit3A_734 = arith.constant 2 : i32
      %select_n3A_735 = arith.select %ge3A_702, %jit3A_733, %jit3A_734 : i32
      %broadcast_in_dim3A_736 = vector.broadcast %select_n3A_735 : i32 to vector<16xi32>
      %slice3A_737 = vector.extract_strided_slice %get3A_440 {offsets = [2], sizes = [1], strides = [1]} : vector<16xi32> to vector<1xi32>
      %squeeze3A_738 = vector.extract %slice3A_737[0] : i32 from vector<1xi32>
      %sub3A_739 = arith.constant 999936 : i32
      %sub3A_740 = arith.subi %squeeze3A_738, %sub3A_739 : i32
      %slice3A_741 = vector.extract_strided_slice %get3A_440 {offsets = [2], sizes = [1], strides = [1]} : vector<16xi32> to vector<1xi32>
      %squeeze3A_742 = vector.extract %slice3A_741[0] : i32 from vector<1xi32>
      %sub3A_743 = arith.subi %squeeze3A_742, %min3A_732 : i32
      %select_n3A_744 = arith.select %ge3A_702, %sub3A_740, %sub3A_743 : i32
      %broadcast_in_dim3A_745 = vector.broadcast %select_n3A_744 : i32 to vector<16xi32>
      %mul3A_746 = arith.constant 4 : i32
      %mul3A_747 = arith.muli %mul3A_254, %mul3A_746 : i32
      %add3A_748 = arith.constant 2 : i32
      %add3A_749 = arith.addi %mul3A_747, %add3A_748 : i32
      %mul3A_750 = arith.constant 8 : i32
      %mul3A_751 = arith.muli %rem3A_256, %mul3A_750 : i32
      %add3A_752 = arith.constant 0 : i32
      %add3A_753 = arith.addi %mul3A_751, %add3A_752 : i32
      %add3A_754 = arith.constant 2 : i32
      %add3A_755 = arith.addi %add3A_753, %add3A_754 : i32
      %add3A_756 = arith.constant 0 : i32
      %add3A_757 = vector.broadcast %add3A_756 : i32 to vector<16xi32>
      %add3A_758 = arith.addi %iota3A, %add3A_757 : vector<16xi32>
      %gather3A_759 = tpu.vector_load_idx %arg9[%broadcast_in_dim3A_736, %add3A_758, %broadcast_in_dim3A_745] : memref<9x64x128xf32, #tpu.memory_space<vmem>>[vector<16xi32>, vector<16xi32>, vector<16xi32>], vector<16xf32>,
      %get3A_760 = arith.index_cast %add3A_749 : i32 to index
      %get3A_761 = arith.constant 0 : index
      %get3A_762 = tpu.vector_load %arg8[%get3A_760, %get3A_761] {strides = array<i32>} : memref<256x64xf32, #tpu.memory_space<vmem>>, vector<16xf32>,
      %add3A_763 = arith.addf %gather3A_759, %get3A_762 : vector<16xf32>
      %swap3A_764 = arith.index_cast %add3A_755 : i32 to index
      %swap3A_765 = arith.constant 0 : index
      %swap3A_766 = tpu.vector_load %arg10[%swap3A_764, %swap3A_765] {strides = array<i32>} : memref<16x64xf32, #tpu.memory_space<vmem>>, vector<16xf32>,
      tpu.vector_store %arg10[%swap3A_764, %swap3A_765], %add3A_763 {strides = array<i32>} : memref<16x64xf32, #tpu.memory_space<vmem>>, vector<16xf32>,
      %add3A_767 = arith.constant 16 : i32
      %add3A_768 = vector.broadcast %add3A_767 : i32 to vector<16xi32>
      %add3A_769 = arith.addi %iota3A, %add3A_768 : vector<16xi32>
      %gather3A_770 = tpu.vector_load_idx %arg9[%broadcast_in_dim3A_736, %add3A_769, %broadcast_in_dim3A_745] : memref<9x64x128xf32, #tpu.memory_space<vmem>>[vector<16xi32>, vector<16xi32>, vector<16xi32>], vector<16xf32>,
      %get3A_771 = arith.index_cast %add3A_749 : i32 to index
      %get3A_772 = arith.constant 16 : index
      %get3A_773 = tpu.vector_load %arg8[%get3A_771, %get3A_772] {strides = array<i32>} : memref<256x64xf32, #tpu.memory_space<vmem>>, vector<16xf32>,
      %add3A_774 = arith.addf %gather3A_770, %get3A_773 : vector<16xf32>
      %swap3A_775 = arith.index_cast %add3A_755 : i32 to index
      %swap3A_776 = arith.constant 16 : index
      %swap3A_777 = tpu.vector_load %arg10[%swap3A_775, %swap3A_776] {strides = array<i32>} : memref<16x64xf32, #tpu.memory_space<vmem>>, vector<16xf32>,
      tpu.vector_store %arg10[%swap3A_775, %swap3A_776], %add3A_774 {strides = array<i32>} : memref<16x64xf32, #tpu.memory_space<vmem>>, vector<16xf32>,
      %add3A_778 = arith.constant 32 : i32
      %add3A_779 = vector.broadcast %add3A_778 : i32 to vector<16xi32>
      %add3A_780 = arith.addi %iota3A, %add3A_779 : vector<16xi32>
      %gather3A_781 = tpu.vector_load_idx %arg9[%broadcast_in_dim3A_736, %add3A_780, %broadcast_in_dim3A_745] : memref<9x64x128xf32, #tpu.memory_space<vmem>>[vector<16xi32>, vector<16xi32>, vector<16xi32>], vector<16xf32>,
      %get3A_782 = arith.index_cast %add3A_749 : i32 to index
      %get3A_783 = arith.constant 32 : index
      %get3A_784 = tpu.vector_load %arg8[%get3A_782, %get3A_783] {strides = array<i32>} : memref<256x64xf32, #tpu.memory_space<vmem>>, vector<16xf32>,
      %add3A_785 = arith.addf %gather3A_781, %get3A_784 : vector<16xf32>
      %swap3A_786 = arith.index_cast %add3A_755 : i32 to index
      %swap3A_787 = arith.constant 32 : index
      %swap3A_788 = tpu.vector_load %arg10[%swap3A_786, %swap3A_787] {strides = array<i32>} : memref<16x64xf32, #tpu.memory_space<vmem>>, vector<16xf32>,
      tpu.vector_store %arg10[%swap3A_786, %swap3A_787], %add3A_785 {strides = array<i32>} : memref<16x64xf32, #tpu.memory_space<vmem>>, vector<16xf32>,
      %add3A_789 = arith.constant 48 : i32
      %add3A_790 = vector.broadcast %add3A_789 : i32 to vector<16xi32>
      %add3A_791 = arith.addi %iota3A, %add3A_790 : vector<16xi32>
      %gather3A_792 = tpu.vector_load_idx %arg9[%broadcast_in_dim3A_736, %add3A_791, %broadcast_in_dim3A_745] : memref<9x64x128xf32, #tpu.memory_space<vmem>>[vector<16xi32>, vector<16xi32>, vector<16xi32>], vector<16xf32>,
      %get3A_793 = arith.index_cast %add3A_749 : i32 to index
      %get3A_794 = arith.constant 48 : index
      %get3A_795 = tpu.vector_load %arg8[%get3A_793, %get3A_794] {strides = array<i32>} : memref<256x64xf32, #tpu.memory_space<vmem>>, vector<16xf32>,
      %add3A_796 = arith.addf %gather3A_792, %get3A_795 : vector<16xf32>
      %swap3A_797 = arith.index_cast %add3A_755 : i32 to index
      %swap3A_798 = arith.constant 48 : index
      %swap3A_799 = tpu.vector_load %arg10[%swap3A_797, %swap3A_798] {strides = array<i32>} : memref<16x64xf32, #tpu.memory_space<vmem>>, vector<16xf32>,
      tpu.vector_store %arg10[%swap3A_797, %swap3A_798], %add3A_796 {strides = array<i32>} : memref<16x64xf32, #tpu.memory_space<vmem>>, vector<16xf32>,
      %slice3A_800 = vector.extract_strided_slice %get3A_440 {offsets = [3], sizes = [1], strides = [1]} : vector<16xi32> to vector<1xi32>
      %squeeze3A_801 = vector.extract %slice3A_800[0] : i32 from vector<1xi32>
      %ge3A_802 = arith.constant 999936 : i32
      %ge3A_803 = arith.cmpi sge, %squeeze3A_801, %ge3A_802 : i32
      %slice3A_804 = vector.extract_strided_slice %get3A_440 {offsets = [3], sizes = [1], strides = [1]} : vector<16xi32> to vector<1xi32>
      %squeeze3A_805 = vector.extract %slice3A_804[0] : i32 from vector<1xi32>
      %jit3A_806 = arith.constant 128 : i32
      %div3A_807 = arith.divsi %squeeze3A_805, %jit3A_806 : i32
      %sign3A_808 = arith.constant 0 : i32
      %sign3A_809 = arith.cmpi sgt, %squeeze3A_805, %sign3A_808 : i32
      %sign3A_810 = arith.extui %sign3A_809 : i1 to i32
      %sign3A_811 = arith.constant 0 : i32
      %sign3A_812 = arith.cmpi slt, %squeeze3A_805, %sign3A_811 : i32
      %sign3A_813 = arith.extui %sign3A_812 : i1 to i32
      %sign3A_814 = arith.subi %sign3A_810, %sign3A_813 : i32
      %sign3A_815 = arith.constant 0 : i32
      %sign3A_816 = arith.cmpi sgt, %jit3A_806, %sign3A_815 : i32
      %sign3A_817 = arith.extui %sign3A_816 : i1 to i32
      %sign3A_818 = arith.constant 0 : i32
      %sign3A_819 = arith.cmpi slt, %jit3A_806, %sign3A_818 : i32
      %sign3A_820 = arith.extui %sign3A_819 : i1 to i32
      %sign3A_821 = arith.subi %sign3A_817, %sign3A_820 : i32
      %ne3A_822 = arith.cmpi ne, %sign3A_814, %sign3A_821 : i32
      %rem3A_823 = arith.remsi %squeeze3A_805, %jit3A_806 : i32
      %ne3A_824 = arith.constant 0 : i32
      %ne3A_825 = arith.cmpi ne, %rem3A_823, %ne3A_824 : i32
      %and3A_826 = arith.andi %ne3A_822, %ne3A_825 : i1
      %sub3A_827 = arith.constant 1 : i32
      %sub3A_828 = arith.subi %div3A_807, %sub3A_827 : i32
      %select_n3A_829 = arith.select %and3A_826, %sub3A_828, %div3A_807 : i32
      %mul3A_830 = arith.constant 128 : i32
      %mul3A_831 = arith.muli %select_n3A_829, %mul3A_830 : i32
      %min3A_832 = arith.constant 999808 : i32
      %min3A_833 = arith.minsi %mul3A_831, %min3A_832 : i32
      %jit3A_834 = arith.constant 8 : i32
      %jit3A_835 = arith.constant 3 : i32
      %select_n3A_836 = arith.select %ge3A_803, %jit3A_834, %jit3A_835 : i32
      %broadcast_in_dim3A_837 = vector.broadcast %select_n3A_836 : i32 to vector<16xi32>
      %slice3A_838 = vector.extract_strided_slice %get3A_440 {offsets = [3], sizes = [1], strides = [1]} : vector<16xi32> to vector<1xi32>
      %squeeze3A_839 = vector.extract %slice3A_838[0] : i32 from vector<1xi32>
      %sub3A_840 = arith.constant 999936 : i32
      %sub3A_841 = arith.subi %squeeze3A_839, %sub3A_840 : i32
      %slice3A_842 = vector.extract_strided_slice %get3A_440 {offsets = [3], sizes = [1], strides = [1]} : vector<16xi32> to vector<1xi32>
      %squeeze3A_843 = vector.extract %slice3A_842[0] : i32 from vector<1xi32>
      %sub3A_844 = arith.subi %squeeze3A_843, %min3A_833 : i32
      %select_n3A_845 = arith.select %ge3A_803, %sub3A_841, %sub3A_844 : i32
      %broadcast_in_dim3A_846 = vector.broadcast %select_n3A_845 : i32 to vector<16xi32>
      %mul3A_847 = arith.constant 4 : i32
      %mul3A_848 = arith.muli %mul3A_254, %mul3A_847 : i32
      %add3A_849 = arith.constant 3 : i32
      %add3A_850 = arith.addi %mul3A_848, %add3A_849 : i32
      %mul3A_851 = arith.constant 8 : i32
      %mul3A_852 = arith.muli %rem3A_256, %mul3A_851 : i32
      %add3A_853 = arith.constant 0 : i32
      %add3A_854 = arith.addi %mul3A_852, %add3A_853 : i32
      %add3A_855 = arith.constant 3 : i32
      %add3A_856 = arith.addi %add3A_854, %add3A_855 : i32
      %add3A_857 = arith.constant 0 : i32
      %add3A_858 = vector.broadcast %add3A_857 : i32 to vector<16xi32>
      %add3A_859 = arith.addi %iota3A, %add3A_858 : vector<16xi32>
      %gather3A_860 = tpu.vector_load_idx %arg9[%broadcast_in_dim3A_837, %add3A_859, %broadcast_in_dim3A_846] : memref<9x64x128xf32, #tpu.memory_space<vmem>>[vector<16xi32>, vector<16xi32>, vector<16xi32>], vector<16xf32>,
      %get3A_861 = arith.index_cast %add3A_850 : i32 to index
      %get3A_862 = arith.constant 0 : index
      %get3A_863 = tpu.vector_load %arg8[%get3A_861, %get3A_862] {strides = array<i32>} : memref<256x64xf32, #tpu.memory_space<vmem>>, vector<16xf32>,
      %add3A_864 = arith.addf %gather3A_860, %get3A_863 : vector<16xf32>
      %swap3A_865 = arith.index_cast %add3A_856 : i32 to index
      %swap3A_866 = arith.constant 0 : index
      %swap3A_867 = tpu.vector_load %arg10[%swap3A_865, %swap3A_866] {strides = array<i32>} : memref<16x64xf32, #tpu.memory_space<vmem>>, vector<16xf32>,
      tpu.vector_store %arg10[%swap3A_865, %swap3A_866], %add3A_864 {strides = array<i32>} : memref<16x64xf32, #tpu.memory_space<vmem>>, vector<16xf32>,
      %add3A_868 = arith.constant 16 : i32
      %add3A_869 = vector.broadcast %add3A_868 : i32 to vector<16xi32>
      %add3A_870 = arith.addi %iota3A, %add3A_869 : vector<16xi32>
      %gather3A_871 = tpu.vector_load_idx %arg9[%broadcast_in_dim3A_837, %add3A_870, %broadcast_in_dim3A_846] : memref<9x64x128xf32, #tpu.memory_space<vmem>>[vector<16xi32>, vector<16xi32>, vector<16xi32>], vector<16xf32>,
      %get3A_872 = arith.index_cast %add3A_850 : i32 to index
      %get3A_873 = arith.constant 16 : index
      %get3A_874 = tpu.vector_load %arg8[%get3A_872, %get3A_873] {strides = array<i32>} : memref<256x64xf32, #tpu.memory_space<vmem>>, vector<16xf32>,
      %add3A_875 = arith.addf %gather3A_871, %get3A_874 : vector<16xf32>
      %swap3A_876 = arith.index_cast %add3A_856 : i32 to index
      %swap3A_877 = arith.constant 16 : index
      %swap3A_878 = tpu.vector_load %arg10[%swap3A_876, %swap3A_877] {strides = array<i32>} : memref<16x64xf32, #tpu.memory_space<vmem>>, vector<16xf32>,
      tpu.vector_store %arg10[%swap3A_876, %swap3A_877], %add3A_875 {strides = array<i32>} : memref<16x64xf32, #tpu.memory_space<vmem>>, vector<16xf32>,
      %add3A_879 = arith.constant 32 : i32
      %add3A_880 = vector.broadcast %add3A_879 : i32 to vector<16xi32>
      %add3A_881 = arith.addi %iota3A, %add3A_880 : vector<16xi32>
      %gather3A_882 = tpu.vector_load_idx %arg9[%broadcast_in_dim3A_837, %add3A_881, %broadcast_in_dim3A_846] : memref<9x64x128xf32, #tpu.memory_space<vmem>>[vector<16xi32>, vector<16xi32>, vector<16xi32>], vector<16xf32>,
      %get3A_883 = arith.index_cast %add3A_850 : i32 to index
      %get3A_884 = arith.constant 32 : index
      %get3A_885 = tpu.vector_load %arg8[%get3A_883, %get3A_884] {strides = array<i32>} : memref<256x64xf32, #tpu.memory_space<vmem>>, vector<16xf32>,
      %add3A_886 = arith.addf %gather3A_882, %get3A_885 : vector<16xf32>
      %swap3A_887 = arith.index_cast %add3A_856 : i32 to index
      %swap3A_888 = arith.constant 32 : index
      %swap3A_889 = tpu.vector_load %arg10[%swap3A_887, %swap3A_888] {strides = array<i32>} : memref<16x64xf32, #tpu.memory_space<vmem>>, vector<16xf32>,
      tpu.vector_store %arg10[%swap3A_887, %swap3A_888], %add3A_886 {strides = array<i32>} : memref<16x64xf32, #tpu.memory_space<vmem>>, vector<16xf32>,
      %add3A_890 = arith.constant 48 : i32
      %add3A_891 = vector.broadcast %add3A_890 : i32 to vector<16xi32>
      %add3A_892 = arith.addi %iota3A, %add3A_891 : vector<16xi32>
      %gather3A_893 = tpu.vector_load_idx %arg9[%broadcast_in_dim3A_837, %add3A_892, %broadcast_in_dim3A_846] : memref<9x64x128xf32, #tpu.memory_space<vmem>>[vector<16xi32>, vector<16xi32>, vector<16xi32>], vector<16xf32>,
      %get3A_894 = arith.index_cast %add3A_850 : i32 to index
      %get3A_895 = arith.constant 48 : index
      %get3A_896 = tpu.vector_load %arg8[%get3A_894, %get3A_895] {strides = array<i32>} : memref<256x64xf32, #tpu.memory_space<vmem>>, vector<16xf32>,
      %add3A_897 = arith.addf %gather3A_893, %get3A_896 : vector<16xf32>
      %swap3A_898 = arith.index_cast %add3A_856 : i32 to index
      %swap3A_899 = arith.constant 48 : index
      %swap3A_900 = tpu.vector_load %arg10[%swap3A_898, %swap3A_899] {strides = array<i32>} : memref<16x64xf32, #tpu.memory_space<vmem>>, vector<16xf32>,
      tpu.vector_store %arg10[%swap3A_898, %swap3A_899], %add3A_897 {strides = array<i32>} : memref<16x64xf32, #tpu.memory_space<vmem>>, vector<16xf32>,
      %add3A_901 = arith.constant 2 : i32
      %add3A_902 = arith.addi %mul3A_254, %add3A_901 : i32
      %min3A_903 = arith.constant 62 : i32
      %min3A_904 = arith.minsi %add3A_902, %min3A_903 : i32
      %mul3A_905 = arith.constant 4 : i32
      %mul3A_906 = arith.muli %min3A_904, %mul3A_905 : i32
      %get3A_907 = arith.index_cast %mul3A_906 : i32 to index
      %get3A_908 = tpu.vector_load %arg7[%get3A_907] {strides = array<i32>} : memref<272xi32, #tpu.memory_space<vmem>>, vector<16xi32>,
      %slice3A_909 = vector.extract_strided_slice %get3A_908 {offsets = [0], sizes = [1], strides = [1]} : vector<16xi32> to vector<1xi32>
      %squeeze3A_910 = vector.extract %slice3A_909[0] : i32 from vector<1xi32>
      %jit3A_911 = arith.constant 128 : i32
      %div3A_912 = arith.divsi %squeeze3A_910, %jit3A_911 : i32
      %sign3A_913 = arith.constant 0 : i32
      %sign3A_914 = arith.cmpi sgt, %squeeze3A_910, %sign3A_913 : i32
      %sign3A_915 = arith.extui %sign3A_914 : i1 to i32
      %sign3A_916 = arith.constant 0 : i32
      %sign3A_917 = arith.cmpi slt, %squeeze3A_910, %sign3A_916 : i32
      %sign3A_918 = arith.extui %sign3A_917 : i1 to i32
      %sign3A_919 = arith.subi %sign3A_915, %sign3A_918 : i32
      %sign3A_920 = arith.constant 0 : i32
      %sign3A_921 = arith.cmpi sgt, %jit3A_911, %sign3A_920 : i32
      %sign3A_922 = arith.extui %sign3A_921 : i1 to i32
      %sign3A_923 = arith.constant 0 : i32
      %sign3A_924 = arith.cmpi slt, %jit3A_911, %sign3A_923 : i32
      %sign3A_925 = arith.extui %sign3A_924 : i1 to i32
      %sign3A_926 = arith.subi %sign3A_922, %sign3A_925 : i32
      %ne3A_927 = arith.cmpi ne, %sign3A_919, %sign3A_926 : i32
      %rem3A_928 = arith.remsi %squeeze3A_910, %jit3A_911 : i32
      %ne3A_929 = arith.constant 0 : i32
      %ne3A_930 = arith.cmpi ne, %rem3A_928, %ne3A_929 : i32
      %and3A_931 = arith.andi %ne3A_927, %ne3A_930 : i1
      %sub3A_932 = arith.constant 1 : i32
      %sub3A_933 = arith.subi %div3A_912, %sub3A_932 : i32
      %select_n3A_934 = arith.select %and3A_931, %sub3A_933, %div3A_912 : i32
      %mul3A_935 = arith.constant 128 : i32
      %mul3A_936 = arith.muli %select_n3A_934, %mul3A_935 : i32
      %min3A_937 = arith.constant 999808 : i32
      %min3A_938 = arith.minsi %mul3A_936, %min3A_937 : i32
      %dma_start3A_939 = arith.constant 0 : i32
      %dma_start3A_940 = arith.constant 0 : i32
      %dma_start3A_941 = arith.constant 0 : i32
      %dma_start3A_942 = tpu.memref_slice %arg9[%dma_start3A_939, %dma_start3A_940, %dma_start3A_941] : memref<9x64x128xf32, #tpu.memory_space<vmem>> -> memref<1x64x128xf32, #tpu.memory_space<vmem>>
      %dma_start3A_943 = tpu.memref_squeeze %dma_start3A_942 : memref<1x64x128xf32, #tpu.memory_space<vmem>> -> memref<64x128xf32, #tpu.memory_space<vmem>>
      %dma_start3A_944 = arith.constant 0 : i32
      %dma_start3A_945 = tpu.memref_slice %arg4[%dma_start3A_944, %min3A_938] : memref<64x1000000xf32, #tpu.memory_space<hbm>> -> memref<64x128xf32, #tpu.memory_space<hbm>>
      %dma_start3A_946 = arith.constant 0 : i32
      %dma_start3A_947 = arith.constant 0 : i32
      %dma_start3A_948 = tpu.memref_slice %arg9[%dma_start3A_939, %dma_start3A_946, %dma_start3A_947] : memref<9x64x128xf32, #tpu.memory_space<vmem>> -> memref<1x64x128xf32, #tpu.memory_space<vmem>>
      %dma_start3A_949 = tpu.memref_squeeze %dma_start3A_948 : memref<1x64x128xf32, #tpu.memory_space<vmem>> -> memref<64x128xf32, #tpu.memory_space<vmem>>
      %dma_start3A_950 = arith.constant 0 : i32
      %dma_start3A_951 = tpu.memref_slice %arg4[%dma_start3A_950, %min3A_938] : memref<64x1000000xf32, #tpu.memory_space<hbm>> -> memref<64x128xf32, #tpu.memory_space<hbm>>
      tpu.enqueue_dma source(%dma_start3A_951 : memref<64x128xf32, #tpu.memory_space<hbm>>) target(%dma_start3A_949 : memref<64x128xf32, #tpu.memory_space<vmem>>) target_semaphore(%arg11 : memref<!tpu.dma_semaphore, #tpu.memory_space<semaphore_mem>>)
      %slice3A_952 = vector.extract_strided_slice %get3A_908 {offsets = [1], sizes = [1], strides = [1]} : vector<16xi32> to vector<1xi32>
      %squeeze3A_953 = vector.extract %slice3A_952[0] : i32 from vector<1xi32>
      %jit3A_954 = arith.constant 128 : i32
      %div3A_955 = arith.divsi %squeeze3A_953, %jit3A_954 : i32
      %sign3A_956 = arith.constant 0 : i32
      %sign3A_957 = arith.cmpi sgt, %squeeze3A_953, %sign3A_956 : i32
      %sign3A_958 = arith.extui %sign3A_957 : i1 to i32
      %sign3A_959 = arith.constant 0 : i32
      %sign3A_960 = arith.cmpi slt, %squeeze3A_953, %sign3A_959 : i32
      %sign3A_961 = arith.extui %sign3A_960 : i1 to i32
      %sign3A_962 = arith.subi %sign3A_958, %sign3A_961 : i32
      %sign3A_963 = arith.constant 0 : i32
      %sign3A_964 = arith.cmpi sgt, %jit3A_954, %sign3A_963 : i32
      %sign3A_965 = arith.extui %sign3A_964 : i1 to i32
      %sign3A_966 = arith.constant 0 : i32
      %sign3A_967 = arith.cmpi slt, %jit3A_954, %sign3A_966 : i32
      %sign3A_968 = arith.extui %sign3A_967 : i1 to i32
      %sign3A_969 = arith.subi %sign3A_965, %sign3A_968 : i32
      %ne3A_970 = arith.cmpi ne, %sign3A_962, %sign3A_969 : i32
      %rem3A_971 = arith.remsi %squeeze3A_953, %jit3A_954 : i32
      %ne3A_972 = arith.constant 0 : i32
      %ne3A_973 = arith.cmpi ne, %rem3A_971, %ne3A_972 : i32
      %and3A_974 = arith.andi %ne3A_970, %ne3A_973 : i1
      %sub3A_975 = arith.constant 1 : i32
      %sub3A_976 = arith.subi %div3A_955, %sub3A_975 : i32
      %select_n3A_977 = arith.select %and3A_974, %sub3A_976, %div3A_955 : i32
      %mul3A_978 = arith.constant 128 : i32
      %mul3A_979 = arith.muli %select_n3A_977, %mul3A_978 : i32
      %min3A_980 = arith.constant 999808 : i32
      %min3A_981 = arith.minsi %mul3A_979, %min3A_980 : i32
      %dma_start3A_982 = arith.constant 1 : i32
      %dma_start3A_983 = arith.constant 0 : i32
      %dma_start3A_984 = arith.constant 0 : i32
      %dma_start3A_985 = tpu.memref_slice %arg9[%dma_start3A_982, %dma_start3A_983, %dma_start3A_984] : memref<9x64x128xf32, #tpu.memory_space<vmem>> -> memref<1x64x128xf32, #tpu.memory_space<vmem>>
      %dma_start3A_986 = tpu.memref_squeeze %dma_start3A_985 : memref<1x64x128xf32, #tpu.memory_space<vmem>> -> memref<64x128xf32, #tpu.memory_space<vmem>>
      %dma_start3A_987 = arith.constant 0 : i32
      %dma_start3A_988 = tpu.memref_slice %arg4[%dma_start3A_987, %min3A_981] : memref<64x1000000xf32, #tpu.memory_space<hbm>> -> memref<64x128xf32, #tpu.memory_space<hbm>>
      %dma_start3A_989 = arith.constant 0 : i32
      %dma_start3A_990 = arith.constant 0 : i32
      %dma_start3A_991 = tpu.memref_slice %arg9[%dma_start3A_982, %dma_start3A_989, %dma_start3A_990] : memref<9x64x128xf32, #tpu.memory_space<vmem>> -> memref<1x64x128xf32, #tpu.memory_space<vmem>>
      %dma_start3A_992 = tpu.memref_squeeze %dma_start3A_991 : memref<1x64x128xf32, #tpu.memory_space<vmem>> -> memref<64x128xf32, #tpu.memory_space<vmem>>
      %dma_start3A_993 = arith.constant 0 : i32
      %dma_start3A_994 = tpu.memref_slice %arg4[%dma_start3A_993, %min3A_981] : memref<64x1000000xf32, #tpu.memory_space<hbm>> -> memref<64x128xf32, #tpu.memory_space<hbm>>
      tpu.enqueue_dma source(%dma_start3A_994 : memref<64x128xf32, #tpu.memory_space<hbm>>) target(%dma_start3A_992 : memref<64x128xf32, #tpu.memory_space<vmem>>) target_semaphore(%arg11 : memref<!tpu.dma_semaphore, #tpu.memory_space<semaphore_mem>>)
      %slice3A_995 = vector.extract_strided_slice %get3A_908 {offsets = [2], sizes = [1], strides = [1]} : vector<16xi32> to vector<1xi32>
      %squeeze3A_996 = vector.extract %slice3A_995[0] : i32 from vector<1xi32>
      %jit3A_997 = arith.constant 128 : i32
      %div3A_998 = arith.divsi %squeeze3A_996, %jit3A_997 : i32
      %sign3A_999 = arith.constant 0 : i32
      %sign3A_1000 = arith.cmpi sgt, %squeeze3A_996, %sign3A_999 : i32
      %sign3A_1001 = arith.extui %sign3A_1000 : i1 to i32
      %sign3A_1002 = arith.constant 0 : i32
      %sign3A_1003 = arith.cmpi slt, %squeeze3A_996, %sign3A_1002 : i32
      %sign3A_1004 = arith.extui %sign3A_1003 : i1 to i32
      %sign3A_1005 = arith.subi %sign3A_1001, %sign3A_1004 : i32
      %sign3A_1006 = arith.constant 0 : i32
      %sign3A_1007 = arith.cmpi sgt, %jit3A_997, %sign3A_1006 : i32
      %sign3A_1008 = arith.extui %sign3A_1007 : i1 to i32
      %sign3A_1009 = arith.constant 0 : i32
      %sign3A_1010 = arith.cmpi slt, %jit3A_997, %sign3A_1009 : i32
      %sign3A_1011 = arith.extui %sign3A_1010 : i1 to i32
      %sign3A_1012 = arith.subi %sign3A_1008, %sign3A_1011 : i32
      %ne3A_1013 = arith.cmpi ne, %sign3A_1005, %sign3A_1012 : i32
      %rem3A_1014 = arith.remsi %squeeze3A_996, %jit3A_997 : i32
      %ne3A_1015 = arith.constant 0 : i32
      %ne3A_1016 = arith.cmpi ne, %rem3A_1014, %ne3A_1015 : i32
      %and3A_1017 = arith.andi %ne3A_1013, %ne3A_1016 : i1
      %sub3A_1018 = arith.constant 1 : i32
      %sub3A_1019 = arith.subi %div3A_998, %sub3A_1018 : i32
      %select_n3A_1020 = arith.select %and3A_1017, %sub3A_1019, %div3A_998 : i32
      %mul3A_1021 = arith.constant 128 : i32
      %mul3A_1022 = arith.muli %select_n3A_1020, %mul3A_1021 : i32
      %min3A_1023 = arith.constant 999808 : i32
      %min3A_1024 = arith.minsi %mul3A_1022, %min3A_1023 : i32
      %dma_start3A_1025 = arith.constant 2 : i32
      %dma_start3A_1026 = arith.constant 0 : i32
      %dma_start3A_1027 = arith.constant 0 : i32
      %dma_start3A_1028 = tpu.memref_slice %arg9[%dma_start3A_1025, %dma_start3A_1026, %dma_start3A_1027] : memref<9x64x128xf32, #tpu.memory_space<vmem>> -> memref<1x64x128xf32, #tpu.memory_space<vmem>>
      %dma_start3A_1029 = tpu.memref_squeeze %dma_start3A_1028 : memref<1x64x128xf32, #tpu.memory_space<vmem>> -> memref<64x128xf32, #tpu.memory_space<vmem>>
      %dma_start3A_1030 = arith.constant 0 : i32
      %dma_start3A_1031 = tpu.memref_slice %arg4[%dma_start3A_1030, %min3A_1024] : memref<64x1000000xf32, #tpu.memory_space<hbm>> -> memref<64x128xf32, #tpu.memory_space<hbm>>
      %dma_start3A_1032 = arith.constant 0 : i32
      %dma_start3A_1033 = arith.constant 0 : i32
      %dma_start3A_1034 = tpu.memref_slice %arg9[%dma_start3A_1025, %dma_start3A_1032, %dma_start3A_1033] : memref<9x64x128xf32, #tpu.memory_space<vmem>> -> memref<1x64x128xf32, #tpu.memory_space<vmem>>
      %dma_start3A_1035 = tpu.memref_squeeze %dma_start3A_1034 : memref<1x64x128xf32, #tpu.memory_space<vmem>> -> memref<64x128xf32, #tpu.memory_space<vmem>>
      %dma_start3A_1036 = arith.constant 0 : i32
      %dma_start3A_1037 = tpu.memref_slice %arg4[%dma_start3A_1036, %min3A_1024] : memref<64x1000000xf32, #tpu.memory_space<hbm>> -> memref<64x128xf32, #tpu.memory_space<hbm>>
      tpu.enqueue_dma source(%dma_start3A_1037 : memref<64x128xf32, #tpu.memory_space<hbm>>) target(%dma_start3A_1035 : memref<64x128xf32, #tpu.memory_space<vmem>>) target_semaphore(%arg11 : memref<!tpu.dma_semaphore, #tpu.memory_space<semaphore_mem>>)
      %slice3A_1038 = vector.extract_strided_slice %get3A_908 {offsets = [3], sizes = [1], strides = [1]} : vector<16xi32> to vector<1xi32>
      %squeeze3A_1039 = vector.extract %slice3A_1038[0] : i32 from vector<1xi32>
      %jit3A_1040 = arith.constant 128 : i32
      %div3A_1041 = arith.divsi %squeeze3A_1039, %jit3A_1040 : i32
      %sign3A_1042 = arith.constant 0 : i32
      %sign3A_1043 = arith.cmpi sgt, %squeeze3A_1039, %sign3A_1042 : i32
      %sign3A_1044 = arith.extui %sign3A_1043 : i1 to i32
      %sign3A_1045 = arith.constant 0 : i32
      %sign3A_1046 = arith.cmpi slt, %squeeze3A_1039, %sign3A_1045 : i32
      %sign3A_1047 = arith.extui %sign3A_1046 : i1 to i32
      %sign3A_1048 = arith.subi %sign3A_1044, %sign3A_1047 : i32
      %sign3A_1049 = arith.constant 0 : i32
      %sign3A_1050 = arith.cmpi sgt, %jit3A_1040, %sign3A_1049 : i32
      %sign3A_1051 = arith.extui %sign3A_1050 : i1 to i32
      %sign3A_1052 = arith.constant 0 : i32
      %sign3A_1053 = arith.cmpi slt, %jit3A_1040, %sign3A_1052 : i32
      %sign3A_1054 = arith.extui %sign3A_1053 : i1 to i32
      %sign3A_1055 = arith.subi %sign3A_1051, %sign3A_1054 : i32
      %ne3A_1056 = arith.cmpi ne, %sign3A_1048, %sign3A_1055 : i32
      %rem3A_1057 = arith.remsi %squeeze3A_1039, %jit3A_1040 : i32
      %ne3A_1058 = arith.constant 0 : i32
      %ne3A_1059 = arith.cmpi ne, %rem3A_1057, %ne3A_1058 : i32
      %and3A_1060 = arith.andi %ne3A_1056, %ne3A_1059 : i1
      %sub3A_1061 = arith.constant 1 : i32
      %sub3A_1062 = arith.subi %div3A_1041, %sub3A_1061 : i32
      %select_n3A_1063 = arith.select %and3A_1060, %sub3A_1062, %div3A_1041 : i32
      %mul3A_1064 = arith.constant 128 : i32
      %mul3A_1065 = arith.muli %select_n3A_1063, %mul3A_1064 : i32
      %min3A_1066 = arith.constant 999808 : i32
      %min3A_1067 = arith.minsi %mul3A_1065, %min3A_1066 : i32
      %dma_start3A_1068 = arith.constant 3 : i32
      %dma_start3A_1069 = arith.constant 0 : i32
      %dma_start3A_1070 = arith.constant 0 : i32
      %dma_start3A_1071 = tpu.memref_slice %arg9[%dma_start3A_1068, %dma_start3A_1069, %dma_start3A_1070] : memref<9x64x128xf32, #tpu.memory_space<vmem>> -> memref<1x64x128xf32, #tpu.memory_space<vmem>>
      %dma_start3A_1072 = tpu.memref_squeeze %dma_start3A_1071 : memref<1x64x128xf32, #tpu.memory_space<vmem>> -> memref<64x128xf32, #tpu.memory_space<vmem>>
      %dma_start3A_1073 = arith.constant 0 : i32
      %dma_start3A_1074 = tpu.memref_slice %arg4[%dma_start3A_1073, %min3A_1067] : memref<64x1000000xf32, #tpu.memory_space<hbm>> -> memref<64x128xf32, #tpu.memory_space<hbm>>
      %dma_start3A_1075 = arith.constant 0 : i32
      %dma_start3A_1076 = arith.constant 0 : i32
      %dma_start3A_1077 = tpu.memref_slice %arg9[%dma_start3A_1068, %dma_start3A_1075, %dma_start3A_1076] : memref<9x64x128xf32, #tpu.memory_space<vmem>> -> memref<1x64x128xf32, #tpu.memory_space<vmem>>
      %dma_start3A_1078 = tpu.memref_squeeze %dma_start3A_1077 : memref<1x64x128xf32, #tpu.memory_space<vmem>> -> memref<64x128xf32, #tpu.memory_space<vmem>>
      %dma_start3A_1079 = arith.constant 0 : i32
      %dma_start3A_1080 = tpu.memref_slice %arg4[%dma_start3A_1079, %min3A_1067] : memref<64x1000000xf32, #tpu.memory_space<hbm>> -> memref<64x128xf32, #tpu.memory_space<hbm>>
      tpu.enqueue_dma source(%dma_start3A_1080 : memref<64x128xf32, #tpu.memory_space<hbm>>) target(%dma_start3A_1078 : memref<64x128xf32, #tpu.memory_space<vmem>>) target_semaphore(%arg11 : memref<!tpu.dma_semaphore, #tpu.memory_space<semaphore_mem>>)
      %add3A_1081 = arith.constant 1 : i32
      %add3A_1082 = arith.addi %mul3A_254, %add3A_1081 : i32
      %mul3A_1083 = arith.constant 4 : i32
      %mul3A_1084 = arith.muli %add3A_1082, %mul3A_1083 : i32
      %get3A_1085 = arith.index_cast %mul3A_1084 : i32 to index
      %get3A_1086 = tpu.vector_load %arg7[%get3A_1085] {strides = array<i32>} : memref<272xi32, #tpu.memory_space<vmem>>, vector<16xi32>,
      %dma_wait3A_1087 = arith.constant 4 : i32
      %dma_wait3A_1088 = arith.constant 0 : i32
      %dma_wait3A_1089 = arith.constant 0 : i32
      %dma_wait3A_1090 = tpu.memref_slice %arg9[%dma_wait3A_1087, %dma_wait3A_1088, %dma_wait3A_1089] : memref<9x64x128xf32, #tpu.memory_space<vmem>> -> memref<1x64x128xf32, #tpu.memory_space<vmem>>
      %dma_wait3A_1091 = tpu.memref_squeeze %dma_wait3A_1090 : memref<1x64x128xf32, #tpu.memory_space<vmem>> -> memref<64x128xf32, #tpu.memory_space<vmem>>
      %dma_wait3A_1092 = arith.constant 0 : i32
      %dma_wait3A_1093 = arith.constant 0 : i32
      %dma_wait3A_1094 = tpu.memref_slice %arg4[%dma_wait3A_1092, %dma_wait3A_1093] : memref<64x1000000xf32, #tpu.memory_space<hbm>> -> memref<64x128xf32, #tpu.memory_space<hbm>>
      %dma_wait3A_1095 = arith.constant 0 : i32
      %dma_wait3A_1096 = arith.constant 0 : i32
      %dma_wait3A_1097 = tpu.memref_slice %arg9[%dma_wait3A_1087, %dma_wait3A_1095, %dma_wait3A_1096] : memref<9x64x128xf32, #tpu.memory_space<vmem>> -> memref<1x64x128xf32, #tpu.memory_space<vmem>>
      %dma_wait3A_1098 = tpu.memref_squeeze %dma_wait3A_1097 : memref<1x64x128xf32, #tpu.memory_space<vmem>> -> memref<64x128xf32, #tpu.memory_space<vmem>>
      %dma_wait3A_1099 = arith.constant 0 : i32
      %dma_wait3A_1100 = arith.constant 0 : i32
      %dma_wait3A_1101 = tpu.memref_slice %arg4[%dma_wait3A_1099, %dma_wait3A_1100] : memref<64x1000000xf32, #tpu.memory_space<hbm>> -> memref<64x128xf32, #tpu.memory_space<hbm>>
      tpu.wait_dma2 semaphore(%arg12 : memref<!tpu.dma_semaphore, #tpu.memory_space<semaphore_mem>>) src(%dma_wait3A_1101 : memref<64x128xf32, #tpu.memory_space<hbm>>) dst(%dma_wait3A_1098 : memref<64x128xf32, #tpu.memory_space<vmem>>)
      %dma_wait3A_1102 = arith.constant 5 : i32
      %dma_wait3A_1103 = arith.constant 0 : i32
      %dma_wait3A_1104 = arith.constant 0 : i32
      %dma_wait3A_1105 = tpu.memref_slice %arg9[%dma_wait3A_1102, %dma_wait3A_1103, %dma_wait3A_1104] : memref<9x64x128xf32, #tpu.memory_space<vmem>> -> memref<1x64x128xf32, #tpu.memory_space<vmem>>
      %dma_wait3A_1106 = tpu.memref_squeeze %dma_wait3A_1105 : memref<1x64x128xf32, #tpu.memory_space<vmem>> -> memref<64x128xf32, #tpu.memory_space<vmem>>
      %dma_wait3A_1107 = arith.constant 0 : i32
      %dma_wait3A_1108 = arith.constant 0 : i32
      %dma_wait3A_1109 = tpu.memref_slice %arg4[%dma_wait3A_1107, %dma_wait3A_1108] : memref<64x1000000xf32, #tpu.memory_space<hbm>> -> memref<64x128xf32, #tpu.memory_space<hbm>>
      %dma_wait3A_1110 = arith.constant 0 : i32
      %dma_wait3A_1111 = arith.constant 0 : i32
      %dma_wait3A_1112 = tpu.memref_slice %arg9[%dma_wait3A_1102, %dma_wait3A_1110, %dma_wait3A_1111] : memref<9x64x128xf32, #tpu.memory_space<vmem>> -> memref<1x64x128xf32, #tpu.memory_space<vmem>>
      %dma_wait3A_1113 = tpu.memref_squeeze %dma_wait3A_1112 : memref<1x64x128xf32, #tpu.memory_space<vmem>> -> memref<64x128xf32, #tpu.memory_space<vmem>>
      %dma_wait3A_1114 = arith.constant 0 : i32
      %dma_wait3A_1115 = arith.constant 0 : i32
      %dma_wait3A_1116 = tpu.memref_slice %arg4[%dma_wait3A_1114, %dma_wait3A_1115] : memref<64x1000000xf32, #tpu.memory_space<hbm>> -> memref<64x128xf32, #tpu.memory_space<hbm>>
      tpu.wait_dma2 semaphore(%arg12 : memref<!tpu.dma_semaphore, #tpu.memory_space<semaphore_mem>>) src(%dma_wait3A_1116 : memref<64x128xf32, #tpu.memory_space<hbm>>) dst(%dma_wait3A_1113 : memref<64x128xf32, #tpu.memory_space<vmem>>)
      %dma_wait3A_1117 = arith.constant 6 : i32
      %dma_wait3A_1118 = arith.constant 0 : i32
      %dma_wait3A_1119 = arith.constant 0 : i32
      %dma_wait3A_1120 = tpu.memref_slice %arg9[%dma_wait3A_1117, %dma_wait3A_1118, %dma_wait3A_1119] : memref<9x64x128xf32, #tpu.memory_space<vmem>> -> memref<1x64x128xf32, #tpu.memory_space<vmem>>
      %dma_wait3A_1121 = tpu.memref_squeeze %dma_wait3A_1120 : memref<1x64x128xf32, #tpu.memory_space<vmem>> -> memref<64x128xf32, #tpu.memory_space<vmem>>
      %dma_wait3A_1122 = arith.constant 0 : i32
      %dma_wait3A_1123 = arith.constant 0 : i32
      %dma_wait3A_1124 = tpu.memref_slice %arg4[%dma_wait3A_1122, %dma_wait3A_1123] : memref<64x1000000xf32, #tpu.memory_space<hbm>> -> memref<64x128xf32, #tpu.memory_space<hbm>>
      %dma_wait3A_1125 = arith.constant 0 : i32
      %dma_wait3A_1126 = arith.constant 0 : i32
      %dma_wait3A_1127 = tpu.memref_slice %arg9[%dma_wait3A_1117, %dma_wait3A_1125, %dma_wait3A_1126] : memref<9x64x128xf32, #tpu.memory_space<vmem>> -> memref<1x64x128xf32, #tpu.memory_space<vmem>>
      %dma_wait3A_1128 = tpu.memref_squeeze %dma_wait3A_1127 : memref<1x64x128xf32, #tpu.memory_space<vmem>> -> memref<64x128xf32, #tpu.memory_space<vmem>>
      %dma_wait3A_1129 = arith.constant 0 : i32
      %dma_wait3A_1130 = arith.constant 0 : i32
      %dma_wait3A_1131 = tpu.memref_slice %arg4[%dma_wait3A_1129, %dma_wait3A_1130] : memref<64x1000000xf32, #tpu.memory_space<hbm>> -> memref<64x128xf32, #tpu.memory_space<hbm>>
      tpu.wait_dma2 semaphore(%arg12 : memref<!tpu.dma_semaphore, #tpu.memory_space<semaphore_mem>>) src(%dma_wait3A_1131 : memref<64x128xf32, #tpu.memory_space<hbm>>) dst(%dma_wait3A_1128 : memref<64x128xf32, #tpu.memory_space<vmem>>)
      %dma_wait3A_1132 = arith.constant 7 : i32
      %dma_wait3A_1133 = arith.constant 0 : i32
      %dma_wait3A_1134 = arith.constant 0 : i32
      %dma_wait3A_1135 = tpu.memref_slice %arg9[%dma_wait3A_1132, %dma_wait3A_1133, %dma_wait3A_1134] : memref<9x64x128xf32, #tpu.memory_space<vmem>> -> memref<1x64x128xf32, #tpu.memory_space<vmem>>
      %dma_wait3A_1136 = tpu.memref_squeeze %dma_wait3A_1135 : memref<1x64x128xf32, #tpu.memory_space<vmem>> -> memref<64x128xf32, #tpu.memory_space<vmem>>
      %dma_wait3A_1137 = arith.constant 0 : i32
      %dma_wait3A_1138 = arith.constant 0 : i32
      %dma_wait3A_1139 = tpu.memref_slice %arg4[%dma_wait3A_1137, %dma_wait3A_1138] : memref<64x1000000xf32, #tpu.memory_space<hbm>> -> memref<64x128xf32, #tpu.memory_space<hbm>>
      %dma_wait3A_1140 = arith.constant 0 : i32
      %dma_wait3A_1141 = arith.constant 0 : i32
      %dma_wait3A_1142 = tpu.memref_slice %arg9[%dma_wait3A_1132, %dma_wait3A_1140, %dma_wait3A_1141] : memref<9x64x128xf32, #tpu.memory_space<vmem>> -> memref<1x64x128xf32, #tpu.memory_space<vmem>>
      %dma_wait3A_1143 = tpu.memref_squeeze %dma_wait3A_1142 : memref<1x64x128xf32, #tpu.memory_space<vmem>> -> memref<64x128xf32, #tpu.memory_space<vmem>>
      %dma_wait3A_1144 = arith.constant 0 : i32
      %dma_wait3A_1145 = arith.constant 0 : i32
      %dma_wait3A_1146 = tpu.memref_slice %arg4[%dma_wait3A_1144, %dma_wait3A_1145] : memref<64x1000000xf32, #tpu.memory_space<hbm>> -> memref<64x128xf32, #tpu.memory_space<hbm>>
      tpu.wait_dma2 semaphore(%arg12 : memref<!tpu.dma_semaphore, #tpu.memory_space<semaphore_mem>>) src(%dma_wait3A_1146 : memref<64x128xf32, #tpu.memory_space<hbm>>) dst(%dma_wait3A_1143 : memref<64x128xf32, #tpu.memory_space<vmem>>)
      %slice3A_1147 = vector.extract_strided_slice %get3A_1086 {offsets = [0], sizes = [1], strides = [1]} : vector<16xi32> to vector<1xi32>
      %squeeze3A_1148 = vector.extract %slice3A_1147[0] : i32 from vector<1xi32>
      %ge3A_1149 = arith.constant 999936 : i32
      %ge3A_1150 = arith.cmpi sge, %squeeze3A_1148, %ge3A_1149 : i32
      %slice3A_1151 = vector.extract_strided_slice %get3A_1086 {offsets = [0], sizes = [1], strides = [1]} : vector<16xi32> to vector<1xi32>
      %squeeze3A_1152 = vector.extract %slice3A_1151[0] : i32 from vector<1xi32>
      %jit3A_1153 = arith.constant 128 : i32
      %div3A_1154 = arith.divsi %squeeze3A_1152, %jit3A_1153 : i32
      %sign3A_1155 = arith.constant 0 : i32
      %sign3A_1156 = arith.cmpi sgt, %squeeze3A_1152, %sign3A_1155 : i32
      %sign3A_1157 = arith.extui %sign3A_1156 : i1 to i32
      %sign3A_1158 = arith.constant 0 : i32
      %sign3A_1159 = arith.cmpi slt, %squeeze3A_1152, %sign3A_1158 : i32
      %sign3A_1160 = arith.extui %sign3A_1159 : i1 to i32
      %sign3A_1161 = arith.subi %sign3A_1157, %sign3A_1160 : i32
      %sign3A_1162 = arith.constant 0 : i32
      %sign3A_1163 = arith.cmpi sgt, %jit3A_1153, %sign3A_1162 : i32
      %sign3A_1164 = arith.extui %sign3A_1163 : i1 to i32
      %sign3A_1165 = arith.constant 0 : i32
      %sign3A_1166 = arith.cmpi slt, %jit3A_1153, %sign3A_1165 : i32
      %sign3A_1167 = arith.extui %sign3A_1166 : i1 to i32
      %sign3A_1168 = arith.subi %sign3A_1164, %sign3A_1167 : i32
      %ne3A_1169 = arith.cmpi ne, %sign3A_1161, %sign3A_1168 : i32
      %rem3A_1170 = arith.remsi %squeeze3A_1152, %jit3A_1153 : i32
      %ne3A_1171 = arith.constant 0 : i32
      %ne3A_1172 = arith.cmpi ne, %rem3A_1170, %ne3A_1171 : i32
      %and3A_1173 = arith.andi %ne3A_1169, %ne3A_1172 : i1
      %sub3A_1174 = arith.constant 1 : i32
      %sub3A_1175 = arith.subi %div3A_1154, %sub3A_1174 : i32
      %select_n3A_1176 = arith.select %and3A_1173, %sub3A_1175, %div3A_1154 : i32
      %mul3A_1177 = arith.constant 128 : i32
      %mul3A_1178 = arith.muli %select_n3A_1176, %mul3A_1177 : i32
      %min3A_1179 = arith.constant 999808 : i32
      %min3A_1180 = arith.minsi %mul3A_1178, %min3A_1179 : i32
      %jit3A_1181 = arith.constant 8 : i32
      %jit3A_1182 = arith.constant 4 : i32
      %select_n3A_1183 = arith.select %ge3A_1150, %jit3A_1181, %jit3A_1182 : i32
      %broadcast_in_dim3A_1184 = vector.broadcast %select_n3A_1183 : i32 to vector<16xi32>
      %slice3A_1185 = vector.extract_strided_slice %get3A_1086 {offsets = [0], sizes = [1], strides = [1]} : vector<16xi32> to vector<1xi32>
      %squeeze3A_1186 = vector.extract %slice3A_1185[0] : i32 from vector<1xi32>
      %sub3A_1187 = arith.constant 999936 : i32
      %sub3A_1188 = arith.subi %squeeze3A_1186, %sub3A_1187 : i32
      %slice3A_1189 = vector.extract_strided_slice %get3A_1086 {offsets = [0], sizes = [1], strides = [1]} : vector<16xi32> to vector<1xi32>
      %squeeze3A_1190 = vector.extract %slice3A_1189[0] : i32 from vector<1xi32>
      %sub3A_1191 = arith.subi %squeeze3A_1190, %min3A_1180 : i32
      %select_n3A_1192 = arith.select %ge3A_1150, %sub3A_1188, %sub3A_1191 : i32
      %broadcast_in_dim3A_1193 = vector.broadcast %select_n3A_1192 : i32 to vector<16xi32>
      %mul3A_1194 = arith.constant 4 : i32
      %mul3A_1195 = arith.muli %add3A_1082, %mul3A_1194 : i32
      %add3A_1196 = arith.constant 0 : i32
      %add3A_1197 = arith.addi %mul3A_1195, %add3A_1196 : i32
      %mul3A_1198 = arith.constant 8 : i32
      %mul3A_1199 = arith.muli %rem3A_256, %mul3A_1198 : i32
      %add3A_1200 = arith.constant 4 : i32
      %add3A_1201 = arith.addi %mul3A_1199, %add3A_1200 : i32
      %add3A_1202 = arith.constant 0 : i32
      %add3A_1203 = arith.addi %add3A_1201, %add3A_1202 : i32
      %add3A_1204 = arith.constant 0 : i32
      %add3A_1205 = vector.broadcast %add3A_1204 : i32 to vector<16xi32>
      %add3A_1206 = arith.addi %iota3A, %add3A_1205 : vector<16xi32>
      %gather3A_1207 = tpu.vector_load_idx %arg9[%broadcast_in_dim3A_1184, %add3A_1206, %broadcast_in_dim3A_1193] : memref<9x64x128xf32, #tpu.memory_space<vmem>>[vector<16xi32>, vector<16xi32>, vector<16xi32>], vector<16xf32>,
      %get3A_1208 = arith.index_cast %add3A_1197 : i32 to index
      %get3A_1209 = arith.constant 0 : index
      %get3A_1210 = tpu.vector_load %arg8[%get3A_1208, %get3A_1209] {strides = array<i32>} : memref<256x64xf32, #tpu.memory_space<vmem>>, vector<16xf32>,
      %add3A_1211 = arith.addf %gather3A_1207, %get3A_1210 : vector<16xf32>
      %swap3A_1212 = arith.index_cast %add3A_1203 : i32 to index
      %swap3A_1213 = arith.constant 0 : index
      %swap3A_1214 = tpu.vector_load %arg10[%swap3A_1212, %swap3A_1213] {strides = array<i32>} : memref<16x64xf32, #tpu.memory_space<vmem>>, vector<16xf32>,
      tpu.vector_store %arg10[%swap3A_1212, %swap3A_1213], %add3A_1211 {strides = array<i32>} : memref<16x64xf32, #tpu.memory_space<vmem>>, vector<16xf32>,
      %add3A_1215 = arith.constant 16 : i32
      %add3A_1216 = vector.broadcast %add3A_1215 : i32 to vector<16xi32>
      %add3A_1217 = arith.addi %iota3A, %add3A_1216 : vector<16xi32>
      %gather3A_1218 = tpu.vector_load_idx %arg9[%broadcast_in_dim3A_1184, %add3A_1217, %broadcast_in_dim3A_1193] : memref<9x64x128xf32, #tpu.memory_space<vmem>>[vector<16xi32>, vector<16xi32>, vector<16xi32>], vector<16xf32>,
      %get3A_1219 = arith.index_cast %add3A_1197 : i32 to index
      %get3A_1220 = arith.constant 16 : index
      %get3A_1221 = tpu.vector_load %arg8[%get3A_1219, %get3A_1220] {strides = array<i32>} : memref<256x64xf32, #tpu.memory_space<vmem>>, vector<16xf32>,
      %add3A_1222 = arith.addf %gather3A_1218, %get3A_1221 : vector<16xf32>
      %swap3A_1223 = arith.index_cast %add3A_1203 : i32 to index
      %swap3A_1224 = arith.constant 16 : index
      %swap3A_1225 = tpu.vector_load %arg10[%swap3A_1223, %swap3A_1224] {strides = array<i32>} : memref<16x64xf32, #tpu.memory_space<vmem>>, vector<16xf32>,
      tpu.vector_store %arg10[%swap3A_1223, %swap3A_1224], %add3A_1222 {strides = array<i32>} : memref<16x64xf32, #tpu.memory_space<vmem>>, vector<16xf32>,
      %add3A_1226 = arith.constant 32 : i32
      %add3A_1227 = vector.broadcast %add3A_1226 : i32 to vector<16xi32>
      %add3A_1228 = arith.addi %iota3A, %add3A_1227 : vector<16xi32>
      %gather3A_1229 = tpu.vector_load_idx %arg9[%broadcast_in_dim3A_1184, %add3A_1228, %broadcast_in_dim3A_1193] : memref<9x64x128xf32, #tpu.memory_space<vmem>>[vector<16xi32>, vector<16xi32>, vector<16xi32>], vector<16xf32>,
      %get3A_1230 = arith.index_cast %add3A_1197 : i32 to index
      %get3A_1231 = arith.constant 32 : index
      %get3A_1232 = tpu.vector_load %arg8[%get3A_1230, %get3A_1231] {strides = array<i32>} : memref<256x64xf32, #tpu.memory_space<vmem>>, vector<16xf32>,
      %add3A_1233 = arith.addf %gather3A_1229, %get3A_1232 : vector<16xf32>
      %swap3A_1234 = arith.index_cast %add3A_1203 : i32 to index
      %swap3A_1235 = arith.constant 32 : index
      %swap3A_1236 = tpu.vector_load %arg10[%swap3A_1234, %swap3A_1235] {strides = array<i32>} : memref<16x64xf32, #tpu.memory_space<vmem>>, vector<16xf32>,
      tpu.vector_store %arg10[%swap3A_1234, %swap3A_1235], %add3A_1233 {strides = array<i32>} : memref<16x64xf32, #tpu.memory_space<vmem>>, vector<16xf32>,
      %add3A_1237 = arith.constant 48 : i32
      %add3A_1238 = vector.broadcast %add3A_1237 : i32 to vector<16xi32>
      %add3A_1239 = arith.addi %iota3A, %add3A_1238 : vector<16xi32>
      %gather3A_1240 = tpu.vector_load_idx %arg9[%broadcast_in_dim3A_1184, %add3A_1239, %broadcast_in_dim3A_1193] : memref<9x64x128xf32, #tpu.memory_space<vmem>>[vector<16xi32>, vector<16xi32>, vector<16xi32>], vector<16xf32>,
      %get3A_1241 = arith.index_cast %add3A_1197 : i32 to index
      %get3A_1242 = arith.constant 48 : index
      %get3A_1243 = tpu.vector_load %arg8[%get3A_1241, %get3A_1242] {strides = array<i32>} : memref<256x64xf32, #tpu.memory_space<vmem>>, vector<16xf32>,
      %add3A_1244 = arith.addf %gather3A_1240, %get3A_1243 : vector<16xf32>
      %swap3A_1245 = arith.index_cast %add3A_1203 : i32 to index
      %swap3A_1246 = arith.constant 48 : index
      %swap3A_1247 = tpu.vector_load %arg10[%swap3A_1245, %swap3A_1246] {strides = array<i32>} : memref<16x64xf32, #tpu.memory_space<vmem>>, vector<16xf32>,
      tpu.vector_store %arg10[%swap3A_1245, %swap3A_1246], %add3A_1244 {strides = array<i32>} : memref<16x64xf32, #tpu.memory_space<vmem>>, vector<16xf32>,
      %slice3A_1248 = vector.extract_strided_slice %get3A_1086 {offsets = [1], sizes = [1], strides = [1]} : vector<16xi32> to vector<1xi32>
      %squeeze3A_1249 = vector.extract %slice3A_1248[0] : i32 from vector<1xi32>
      %ge3A_1250 = arith.constant 999936 : i32
      %ge3A_1251 = arith.cmpi sge, %squeeze3A_1249, %ge3A_1250 : i32
      %slice3A_1252 = vector.extract_strided_slice %get3A_1086 {offsets = [1], sizes = [1], strides = [1]} : vector<16xi32> to vector<1xi32>
      %squeeze3A_1253 = vector.extract %slice3A_1252[0] : i32 from vector<1xi32>
      %jit3A_1254 = arith.constant 128 : i32
      %div3A_1255 = arith.divsi %squeeze3A_1253, %jit3A_1254 : i32
      %sign3A_1256 = arith.constant 0 : i32
      %sign3A_1257 = arith.cmpi sgt, %squeeze3A_1253, %sign3A_1256 : i32
      %sign3A_1258 = arith.extui %sign3A_1257 : i1 to i32
      %sign3A_1259 = arith.constant 0 : i32
      %sign3A_1260 = arith.cmpi slt, %squeeze3A_1253, %sign3A_1259 : i32
      %sign3A_1261 = arith.extui %sign3A_1260 : i1 to i32
      %sign3A_1262 = arith.subi %sign3A_1258, %sign3A_1261 : i32
      %sign3A_1263 = arith.constant 0 : i32
      %sign3A_1264 = arith.cmpi sgt, %jit3A_1254, %sign3A_1263 : i32
      %sign3A_1265 = arith.extui %sign3A_1264 : i1 to i32
      %sign3A_1266 = arith.constant 0 : i32
      %sign3A_1267 = arith.cmpi slt, %jit3A_1254, %sign3A_1266 : i32
      %sign3A_1268 = arith.extui %sign3A_1267 : i1 to i32
      %sign3A_1269 = arith.subi %sign3A_1265, %sign3A_1268 : i32
      %ne3A_1270 = arith.cmpi ne, %sign3A_1262, %sign3A_1269 : i32
      %rem3A_1271 = arith.remsi %squeeze3A_1253, %jit3A_1254 : i32
      %ne3A_1272 = arith.constant 0 : i32
      %ne3A_1273 = arith.cmpi ne, %rem3A_1271, %ne3A_1272 : i32
      %and3A_1274 = arith.andi %ne3A_1270, %ne3A_1273 : i1
      %sub3A_1275 = arith.constant 1 : i32
      %sub3A_1276 = arith.subi %div3A_1255, %sub3A_1275 : i32
      %select_n3A_1277 = arith.select %and3A_1274, %sub3A_1276, %div3A_1255 : i32
      %mul3A_1278 = arith.constant 128 : i32
      %mul3A_1279 = arith.muli %select_n3A_1277, %mul3A_1278 : i32
      %min3A_1280 = arith.constant 999808 : i32
      %min3A_1281 = arith.minsi %mul3A_1279, %min3A_1280 : i32
      %jit3A_1282 = arith.constant 8 : i32
      %jit3A_1283 = arith.constant 5 : i32
      %select_n3A_1284 = arith.select %ge3A_1251, %jit3A_1282, %jit3A_1283 : i32
      %broadcast_in_dim3A_1285 = vector.broadcast %select_n3A_1284 : i32 to vector<16xi32>
      %slice3A_1286 = vector.extract_strided_slice %get3A_1086 {offsets = [1], sizes = [1], strides = [1]} : vector<16xi32> to vector<1xi32>
      %squeeze3A_1287 = vector.extract %slice3A_1286[0] : i32 from vector<1xi32>
      %sub3A_1288 = arith.constant 999936 : i32
      %sub3A_1289 = arith.subi %squeeze3A_1287, %sub3A_1288 : i32
      %slice3A_1290 = vector.extract_strided_slice %get3A_1086 {offsets = [1], sizes = [1], strides = [1]} : vector<16xi32> to vector<1xi32>
      %squeeze3A_1291 = vector.extract %slice3A_1290[0] : i32 from vector<1xi32>
      %sub3A_1292 = arith.subi %squeeze3A_1291, %min3A_1281 : i32
      %select_n3A_1293 = arith.select %ge3A_1251, %sub3A_1289, %sub3A_1292 : i32
      %broadcast_in_dim3A_1294 = vector.broadcast %select_n3A_1293 : i32 to vector<16xi32>
      %mul3A_1295 = arith.constant 4 : i32
      %mul3A_1296 = arith.muli %add3A_1082, %mul3A_1295 : i32
      %add3A_1297 = arith.constant 1 : i32
      %add3A_1298 = arith.addi %mul3A_1296, %add3A_1297 : i32
      %mul3A_1299 = arith.constant 8 : i32
      %mul3A_1300 = arith.muli %rem3A_256, %mul3A_1299 : i32
      %add3A_1301 = arith.constant 4 : i32
      %add3A_1302 = arith.addi %mul3A_1300, %add3A_1301 : i32
      %add3A_1303 = arith.constant 1 : i32
      %add3A_1304 = arith.addi %add3A_1302, %add3A_1303 : i32
      %add3A_1305 = arith.constant 0 : i32
      %add3A_1306 = vector.broadcast %add3A_1305 : i32 to vector<16xi32>
      %add3A_1307 = arith.addi %iota3A, %add3A_1306 : vector<16xi32>
      %gather3A_1308 = tpu.vector_load_idx %arg9[%broadcast_in_dim3A_1285, %add3A_1307, %broadcast_in_dim3A_1294] : memref<9x64x128xf32, #tpu.memory_space<vmem>>[vector<16xi32>, vector<16xi32>, vector<16xi32>], vector<16xf32>,
      %get3A_1309 = arith.index_cast %add3A_1298 : i32 to index
      %get3A_1310 = arith.constant 0 : index
      %get3A_1311 = tpu.vector_load %arg8[%get3A_1309, %get3A_1310] {strides = array<i32>} : memref<256x64xf32, #tpu.memory_space<vmem>>, vector<16xf32>,
      %add3A_1312 = arith.addf %gather3A_1308, %get3A_1311 : vector<16xf32>
      %swap3A_1313 = arith.index_cast %add3A_1304 : i32 to index
      %swap3A_1314 = arith.constant 0 : index
      %swap3A_1315 = tpu.vector_load %arg10[%swap3A_1313, %swap3A_1314] {strides = array<i32>} : memref<16x64xf32, #tpu.memory_space<vmem>>, vector<16xf32>,
      tpu.vector_store %arg10[%swap3A_1313, %swap3A_1314], %add3A_1312 {strides = array<i32>} : memref<16x64xf32, #tpu.memory_space<vmem>>, vector<16xf32>,
      %add3A_1316 = arith.constant 16 : i32
      %add3A_1317 = vector.broadcast %add3A_1316 : i32 to vector<16xi32>
      %add3A_1318 = arith.addi %iota3A, %add3A_1317 : vector<16xi32>
      %gather3A_1319 = tpu.vector_load_idx %arg9[%broadcast_in_dim3A_1285, %add3A_1318, %broadcast_in_dim3A_1294] : memref<9x64x128xf32, #tpu.memory_space<vmem>>[vector<16xi32>, vector<16xi32>, vector<16xi32>], vector<16xf32>,
      %get3A_1320 = arith.index_cast %add3A_1298 : i32 to index
      %get3A_1321 = arith.constant 16 : index
      %get3A_1322 = tpu.vector_load %arg8[%get3A_1320, %get3A_1321] {strides = array<i32>} : memref<256x64xf32, #tpu.memory_space<vmem>>, vector<16xf32>,
      %add3A_1323 = arith.addf %gather3A_1319, %get3A_1322 : vector<16xf32>
      %swap3A_1324 = arith.index_cast %add3A_1304 : i32 to index
      %swap3A_1325 = arith.constant 16 : index
      %swap3A_1326 = tpu.vector_load %arg10[%swap3A_1324, %swap3A_1325] {strides = array<i32>} : memref<16x64xf32, #tpu.memory_space<vmem>>, vector<16xf32>,
      tpu.vector_store %arg10[%swap3A_1324, %swap3A_1325], %add3A_1323 {strides = array<i32>} : memref<16x64xf32, #tpu.memory_space<vmem>>, vector<16xf32>,
      %add3A_1327 = arith.constant 32 : i32
      %add3A_1328 = vector.broadcast %add3A_1327 : i32 to vector<16xi32>
      %add3A_1329 = arith.addi %iota3A, %add3A_1328 : vector<16xi32>
      %gather3A_1330 = tpu.vector_load_idx %arg9[%broadcast_in_dim3A_1285, %add3A_1329, %broadcast_in_dim3A_1294] : memref<9x64x128xf32, #tpu.memory_space<vmem>>[vector<16xi32>, vector<16xi32>, vector<16xi32>], vector<16xf32>,
      %get3A_1331 = arith.index_cast %add3A_1298 : i32 to index
      %get3A_1332 = arith.constant 32 : index
      %get3A_1333 = tpu.vector_load %arg8[%get3A_1331, %get3A_1332] {strides = array<i32>} : memref<256x64xf32, #tpu.memory_space<vmem>>, vector<16xf32>,
      %add3A_1334 = arith.addf %gather3A_1330, %get3A_1333 : vector<16xf32>
      %swap3A_1335 = arith.index_cast %add3A_1304 : i32 to index
      %swap3A_1336 = arith.constant 32 : index
      %swap3A_1337 = tpu.vector_load %arg10[%swap3A_1335, %swap3A_1336] {strides = array<i32>} : memref<16x64xf32, #tpu.memory_space<vmem>>, vector<16xf32>,
      tpu.vector_store %arg10[%swap3A_1335, %swap3A_1336], %add3A_1334 {strides = array<i32>} : memref<16x64xf32, #tpu.memory_space<vmem>>, vector<16xf32>,
      %add3A_1338 = arith.constant 48 : i32
      %add3A_1339 = vector.broadcast %add3A_1338 : i32 to vector<16xi32>
      %add3A_1340 = arith.addi %iota3A, %add3A_1339 : vector<16xi32>
      %gather3A_1341 = tpu.vector_load_idx %arg9[%broadcast_in_dim3A_1285, %add3A_1340, %broadcast_in_dim3A_1294] : memref<9x64x128xf32, #tpu.memory_space<vmem>>[vector<16xi32>, vector<16xi32>, vector<16xi32>], vector<16xf32>,
      %get3A_1342 = arith.index_cast %add3A_1298 : i32 to index
      %get3A_1343 = arith.constant 48 : index
      %get3A_1344 = tpu.vector_load %arg8[%get3A_1342, %get3A_1343] {strides = array<i32>} : memref<256x64xf32, #tpu.memory_space<vmem>>, vector<16xf32>,
      %add3A_1345 = arith.addf %gather3A_1341, %get3A_1344 : vector<16xf32>
      %swap3A_1346 = arith.index_cast %add3A_1304 : i32 to index
      %swap3A_1347 = arith.constant 48 : index
      %swap3A_1348 = tpu.vector_load %arg10[%swap3A_1346, %swap3A_1347] {strides = array<i32>} : memref<16x64xf32, #tpu.memory_space<vmem>>, vector<16xf32>,
      tpu.vector_store %arg10[%swap3A_1346, %swap3A_1347], %add3A_1345 {strides = array<i32>} : memref<16x64xf32, #tpu.memory_space<vmem>>, vector<16xf32>,
      %slice3A_1349 = vector.extract_strided_slice %get3A_1086 {offsets = [2], sizes = [1], strides = [1]} : vector<16xi32> to vector<1xi32>
      %squeeze3A_1350 = vector.extract %slice3A_1349[0] : i32 from vector<1xi32>
      %ge3A_1351 = arith.constant 999936 : i32
      %ge3A_1352 = arith.cmpi sge, %squeeze3A_1350, %ge3A_1351 : i32
      %slice3A_1353 = vector.extract_strided_slice %get3A_1086 {offsets = [2], sizes = [1], strides = [1]} : vector<16xi32> to vector<1xi32>
      %squeeze3A_1354 = vector.extract %slice3A_1353[0] : i32 from vector<1xi32>
      %jit3A_1355 = arith.constant 128 : i32
      %div3A_1356 = arith.divsi %squeeze3A_1354, %jit3A_1355 : i32
      %sign3A_1357 = arith.constant 0 : i32
      %sign3A_1358 = arith.cmpi sgt, %squeeze3A_1354, %sign3A_1357 : i32
      %sign3A_1359 = arith.extui %sign3A_1358 : i1 to i32
      %sign3A_1360 = arith.constant 0 : i32
      %sign3A_1361 = arith.cmpi slt, %squeeze3A_1354, %sign3A_1360 : i32
      %sign3A_1362 = arith.extui %sign3A_1361 : i1 to i32
      %sign3A_1363 = arith.subi %sign3A_1359, %sign3A_1362 : i32
      %sign3A_1364 = arith.constant 0 : i32
      %sign3A_1365 = arith.cmpi sgt, %jit3A_1355, %sign3A_1364 : i32
      %sign3A_1366 = arith.extui %sign3A_1365 : i1 to i32
      %sign3A_1367 = arith.constant 0 : i32
      %sign3A_1368 = arith.cmpi slt, %jit3A_1355, %sign3A_1367 : i32
      %sign3A_1369 = arith.extui %sign3A_1368 : i1 to i32
      %sign3A_1370 = arith.subi %sign3A_1366, %sign3A_1369 : i32
      %ne3A_1371 = arith.cmpi ne, %sign3A_1363, %sign3A_1370 : i32
      %rem3A_1372 = arith.remsi %squeeze3A_1354, %jit3A_1355 : i32
      %ne3A_1373 = arith.constant 0 : i32
      %ne3A_1374 = arith.cmpi ne, %rem3A_1372, %ne3A_1373 : i32
      %and3A_1375 = arith.andi %ne3A_1371, %ne3A_1374 : i1
      %sub3A_1376 = arith.constant 1 : i32
      %sub3A_1377 = arith.subi %div3A_1356, %sub3A_1376 : i32
      %select_n3A_1378 = arith.select %and3A_1375, %sub3A_1377, %div3A_1356 : i32
      %mul3A_1379 = arith.constant 128 : i32
      %mul3A_1380 = arith.muli %select_n3A_1378, %mul3A_1379 : i32
      %min3A_1381 = arith.constant 999808 : i32
      %min3A_1382 = arith.minsi %mul3A_1380, %min3A_1381 : i32
      %jit3A_1383 = arith.constant 8 : i32
      %jit3A_1384 = arith.constant 6 : i32
      %select_n3A_1385 = arith.select %ge3A_1352, %jit3A_1383, %jit3A_1384 : i32
      %broadcast_in_dim3A_1386 = vector.broadcast %select_n3A_1385 : i32 to vector<16xi32>
      %slice3A_1387 = vector.extract_strided_slice %get3A_1086 {offsets = [2], sizes = [1], strides = [1]} : vector<16xi32> to vector<1xi32>
      %squeeze3A_1388 = vector.extract %slice3A_1387[0] : i32 from vector<1xi32>
      %sub3A_1389 = arith.constant 999936 : i32
      %sub3A_1390 = arith.subi %squeeze3A_1388, %sub3A_1389 : i32
      %slice3A_1391 = vector.extract_strided_slice %get3A_1086 {offsets = [2], sizes = [1], strides = [1]} : vector<16xi32> to vector<1xi32>
      %squeeze3A_1392 = vector.extract %slice3A_1391[0] : i32 from vector<1xi32>
      %sub3A_1393 = arith.subi %squeeze3A_1392, %min3A_1382 : i32
      %select_n3A_1394 = arith.select %ge3A_1352, %sub3A_1390, %sub3A_1393 : i32
      %broadcast_in_dim3A_1395 = vector.broadcast %select_n3A_1394 : i32 to vector<16xi32>
      %mul3A_1396 = arith.constant 4 : i32
      %mul3A_1397 = arith.muli %add3A_1082, %mul3A_1396 : i32
      %add3A_1398 = arith.constant 2 : i32
      %add3A_1399 = arith.addi %mul3A_1397, %add3A_1398 : i32
      %mul3A_1400 = arith.constant 8 : i32
      %mul3A_1401 = arith.muli %rem3A_256, %mul3A_1400 : i32
      %add3A_1402 = arith.constant 4 : i32
      %add3A_1403 = arith.addi %mul3A_1401, %add3A_1402 : i32
      %add3A_1404 = arith.constant 2 : i32
      %add3A_1405 = arith.addi %add3A_1403, %add3A_1404 : i32
      %add3A_1406 = arith.constant 0 : i32
      %add3A_1407 = vector.broadcast %add3A_1406 : i32 to vector<16xi32>
      %add3A_1408 = arith.addi %iota3A, %add3A_1407 : vector<16xi32>
      %gather3A_1409 = tpu.vector_load_idx %arg9[%broadcast_in_dim3A_1386, %add3A_1408, %broadcast_in_dim3A_1395] : memref<9x64x128xf32, #tpu.memory_space<vmem>>[vector<16xi32>, vector<16xi32>, vector<16xi32>], vector<16xf32>,
      %get3A_1410 = arith.index_cast %add3A_1399 : i32 to index
      %get3A_1411 = arith.constant 0 : index
      %get3A_1412 = tpu.vector_load %arg8[%get3A_1410, %get3A_1411] {strides = array<i32>} : memref<256x64xf32, #tpu.memory_space<vmem>>, vector<16xf32>,
      %add3A_1413 = arith.addf %gather3A_1409, %get3A_1412 : vector<16xf32>
      %swap3A_1414 = arith.index_cast %add3A_1405 : i32 to index
      %swap3A_1415 = arith.constant 0 : index
      %swap3A_1416 = tpu.vector_load %arg10[%swap3A_1414, %swap3A_1415] {strides = array<i32>} : memref<16x64xf32, #tpu.memory_space<vmem>>, vector<16xf32>,
      tpu.vector_store %arg10[%swap3A_1414, %swap3A_1415], %add3A_1413 {strides = array<i32>} : memref<16x64xf32, #tpu.memory_space<vmem>>, vector<16xf32>,
      %add3A_1417 = arith.constant 16 : i32
      %add3A_1418 = vector.broadcast %add3A_1417 : i32 to vector<16xi32>
      %add3A_1419 = arith.addi %iota3A, %add3A_1418 : vector<16xi32>
      %gather3A_1420 = tpu.vector_load_idx %arg9[%broadcast_in_dim3A_1386, %add3A_1419, %broadcast_in_dim3A_1395] : memref<9x64x128xf32, #tpu.memory_space<vmem>>[vector<16xi32>, vector<16xi32>, vector<16xi32>], vector<16xf32>,
      %get3A_1421 = arith.index_cast %add3A_1399 : i32 to index
      %get3A_1422 = arith.constant 16 : index
      %get3A_1423 = tpu.vector_load %arg8[%get3A_1421, %get3A_1422] {strides = array<i32>} : memref<256x64xf32, #tpu.memory_space<vmem>>, vector<16xf32>,
      %add3A_1424 = arith.addf %gather3A_1420, %get3A_1423 : vector<16xf32>
      %swap3A_1425 = arith.index_cast %add3A_1405 : i32 to index
      %swap3A_1426 = arith.constant 16 : index
      %swap3A_1427 = tpu.vector_load %arg10[%swap3A_1425, %swap3A_1426] {strides = array<i32>} : memref<16x64xf32, #tpu.memory_space<vmem>>, vector<16xf32>,
      tpu.vector_store %arg10[%swap3A_1425, %swap3A_1426], %add3A_1424 {strides = array<i32>} : memref<16x64xf32, #tpu.memory_space<vmem>>, vector<16xf32>,
      %add3A_1428 = arith.constant 32 : i32
      %add3A_1429 = vector.broadcast %add3A_1428 : i32 to vector<16xi32>
      %add3A_1430 = arith.addi %iota3A, %add3A_1429 : vector<16xi32>
      %gather3A_1431 = tpu.vector_load_idx %arg9[%broadcast_in_dim3A_1386, %add3A_1430, %broadcast_in_dim3A_1395] : memref<9x64x128xf32, #tpu.memory_space<vmem>>[vector<16xi32>, vector<16xi32>, vector<16xi32>], vector<16xf32>,
      %get3A_1432 = arith.index_cast %add3A_1399 : i32 to index
      %get3A_1433 = arith.constant 32 : index
      %get3A_1434 = tpu.vector_load %arg8[%get3A_1432, %get3A_1433] {strides = array<i32>} : memref<256x64xf32, #tpu.memory_space<vmem>>, vector<16xf32>,
      %add3A_1435 = arith.addf %gather3A_1431, %get3A_1434 : vector<16xf32>
      %swap3A_1436 = arith.index_cast %add3A_1405 : i32 to index
      %swap3A_1437 = arith.constant 32 : index
      %swap3A_1438 = tpu.vector_load %arg10[%swap3A_1436, %swap3A_1437] {strides = array<i32>} : memref<16x64xf32, #tpu.memory_space<vmem>>, vector<16xf32>,
      tpu.vector_store %arg10[%swap3A_1436, %swap3A_1437], %add3A_1435 {strides = array<i32>} : memref<16x64xf32, #tpu.memory_space<vmem>>, vector<16xf32>,
      %add3A_1439 = arith.constant 48 : i32
      %add3A_1440 = vector.broadcast %add3A_1439 : i32 to vector<16xi32>
      %add3A_1441 = arith.addi %iota3A, %add3A_1440 : vector<16xi32>
      %gather3A_1442 = tpu.vector_load_idx %arg9[%broadcast_in_dim3A_1386, %add3A_1441, %broadcast_in_dim3A_1395] : memref<9x64x128xf32, #tpu.memory_space<vmem>>[vector<16xi32>, vector<16xi32>, vector<16xi32>], vector<16xf32>,
      %get3A_1443 = arith.index_cast %add3A_1399 : i32 to index
      %get3A_1444 = arith.constant 48 : index
      %get3A_1445 = tpu.vector_load %arg8[%get3A_1443, %get3A_1444] {strides = array<i32>} : memref<256x64xf32, #tpu.memory_space<vmem>>, vector<16xf32>,
      %add3A_1446 = arith.addf %gather3A_1442, %get3A_1445 : vector<16xf32>
      %swap3A_1447 = arith.index_cast %add3A_1405 : i32 to index
      %swap3A_1448 = arith.constant 48 : index
      %swap3A_1449 = tpu.vector_load %arg10[%swap3A_1447, %swap3A_1448] {strides = array<i32>} : memref<16x64xf32, #tpu.memory_space<vmem>>, vector<16xf32>,
      tpu.vector_store %arg10[%swap3A_1447, %swap3A_1448], %add3A_1446 {strides = array<i32>} : memref<16x64xf32, #tpu.memory_space<vmem>>, vector<16xf32>,
      %slice3A_1450 = vector.extract_strided_slice %get3A_1086 {offsets = [3], sizes = [1], strides = [1]} : vector<16xi32> to vector<1xi32>
      %squeeze3A_1451 = vector.extract %slice3A_1450[0] : i32 from vector<1xi32>
      %ge3A_1452 = arith.constant 999936 : i32
      %ge3A_1453 = arith.cmpi sge, %squeeze3A_1451, %ge3A_1452 : i32
      %slice3A_1454 = vector.extract_strided_slice %get3A_1086 {offsets = [3], sizes = [1], strides = [1]} : vector<16xi32> to vector<1xi32>
      %squeeze3A_1455 = vector.extract %slice3A_1454[0] : i32 from vector<1xi32>
      %jit3A_1456 = arith.constant 128 : i32
      %div3A_1457 = arith.divsi %squeeze3A_1455, %jit3A_1456 : i32
      %sign3A_1458 = arith.constant 0 : i32
      %sign3A_1459 = arith.cmpi sgt, %squeeze3A_1455, %sign3A_1458 : i32
      %sign3A_1460 = arith.extui %sign3A_1459 : i1 to i32
      %sign3A_1461 = arith.constant 0 : i32
      %sign3A_1462 = arith.cmpi slt, %squeeze3A_1455, %sign3A_1461 : i32
      %sign3A_1463 = arith.extui %sign3A_1462 : i1 to i32
      %sign3A_1464 = arith.subi %sign3A_1460, %sign3A_1463 : i32
      %sign3A_1465 = arith.constant 0 : i32
      %sign3A_1466 = arith.cmpi sgt, %jit3A_1456, %sign3A_1465 : i32
      %sign3A_1467 = arith.extui %sign3A_1466 : i1 to i32
      %sign3A_1468 = arith.constant 0 : i32
      %sign3A_1469 = arith.cmpi slt, %jit3A_1456, %sign3A_1468 : i32
      %sign3A_1470 = arith.extui %sign3A_1469 : i1 to i32
      %sign3A_1471 = arith.subi %sign3A_1467, %sign3A_1470 : i32
      %ne3A_1472 = arith.cmpi ne, %sign3A_1464, %sign3A_1471 : i32
      %rem3A_1473 = arith.remsi %squeeze3A_1455, %jit3A_1456 : i32
      %ne3A_1474 = arith.constant 0 : i32
      %ne3A_1475 = arith.cmpi ne, %rem3A_1473, %ne3A_1474 : i32
      %and3A_1476 = arith.andi %ne3A_1472, %ne3A_1475 : i1
      %sub3A_1477 = arith.constant 1 : i32
      %sub3A_1478 = arith.subi %div3A_1457, %sub3A_1477 : i32
      %select_n3A_1479 = arith.select %and3A_1476, %sub3A_1478, %div3A_1457 : i32
      %mul3A_1480 = arith.constant 128 : i32
      %mul3A_1481 = arith.muli %select_n3A_1479, %mul3A_1480 : i32
      %min3A_1482 = arith.constant 999808 : i32
      %min3A_1483 = arith.minsi %mul3A_1481, %min3A_1482 : i32
      %jit3A_1484 = arith.constant 8 : i32
      %jit3A_1485 = arith.constant 7 : i32
      %select_n3A_1486 = arith.select %ge3A_1453, %jit3A_1484, %jit3A_1485 : i32
      %broadcast_in_dim3A_1487 = vector.broadcast %select_n3A_1486 : i32 to vector<16xi32>
      %slice3A_1488 = vector.extract_strided_slice %get3A_1086 {offsets = [3], sizes = [1], strides = [1]} : vector<16xi32> to vector<1xi32>
      %squeeze3A_1489 = vector.extract %slice3A_1488[0] : i32 from vector<1xi32>
      %sub3A_1490 = arith.constant 999936 : i32
      %sub3A_1491 = arith.subi %squeeze3A_1489, %sub3A_1490 : i32
      %slice3A_1492 = vector.extract_strided_slice %get3A_1086 {offsets = [3], sizes = [1], strides = [1]} : vector<16xi32> to vector<1xi32>
      %squeeze3A_1493 = vector.extract %slice3A_1492[0] : i32 from vector<1xi32>
      %sub3A_1494 = arith.subi %squeeze3A_1493, %min3A_1483 : i32
      %select_n3A_1495 = arith.select %ge3A_1453, %sub3A_1491, %sub3A_1494 : i32
      %broadcast_in_dim3A_1496 = vector.broadcast %select_n3A_1495 : i32 to vector<16xi32>
      %mul3A_1497 = arith.constant 4 : i32
      %mul3A_1498 = arith.muli %add3A_1082, %mul3A_1497 : i32
      %add3A_1499 = arith.constant 3 : i32
      %add3A_1500 = arith.addi %mul3A_1498, %add3A_1499 : i32
      %mul3A_1501 = arith.constant 8 : i32
      %mul3A_1502 = arith.muli %rem3A_256, %mul3A_1501 : i32
      %add3A_1503 = arith.constant 4 : i32
      %add3A_1504 = arith.addi %mul3A_1502, %add3A_1503 : i32
      %add3A_1505 = arith.constant 3 : i32
      %add3A_1506 = arith.addi %add3A_1504, %add3A_1505 : i32
      %add3A_1507 = arith.constant 0 : i32
      %add3A_1508 = vector.broadcast %add3A_1507 : i32 to vector<16xi32>
      %add3A_1509 = arith.addi %iota3A, %add3A_1508 : vector<16xi32>
      %gather3A_1510 = tpu.vector_load_idx %arg9[%broadcast_in_dim3A_1487, %add3A_1509, %broadcast_in_dim3A_1496] : memref<9x64x128xf32, #tpu.memory_space<vmem>>[vector<16xi32>, vector<16xi32>, vector<16xi32>], vector<16xf32>,
      %get3A_1511 = arith.index_cast %add3A_1500 : i32 to index
      %get3A_1512 = arith.constant 0 : index
      %get3A_1513 = tpu.vector_load %arg8[%get3A_1511, %get3A_1512] {strides = array<i32>} : memref<256x64xf32, #tpu.memory_space<vmem>>, vector<16xf32>,
      %add3A_1514 = arith.addf %gather3A_1510, %get3A_1513 : vector<16xf32>
      %swap3A_1515 = arith.index_cast %add3A_1506 : i32 to index
      %swap3A_1516 = arith.constant 0 : index
      %swap3A_1517 = tpu.vector_load %arg10[%swap3A_1515, %swap3A_1516] {strides = array<i32>} : memref<16x64xf32, #tpu.memory_space<vmem>>, vector<16xf32>,
      tpu.vector_store %arg10[%swap3A_1515, %swap3A_1516], %add3A_1514 {strides = array<i32>} : memref<16x64xf32, #tpu.memory_space<vmem>>, vector<16xf32>,
      %add3A_1518 = arith.constant 16 : i32
      %add3A_1519 = vector.broadcast %add3A_1518 : i32 to vector<16xi32>
      %add3A_1520 = arith.addi %iota3A, %add3A_1519 : vector<16xi32>
      %gather3A_1521 = tpu.vector_load_idx %arg9[%broadcast_in_dim3A_1487, %add3A_1520, %broadcast_in_dim3A_1496] : memref<9x64x128xf32, #tpu.memory_space<vmem>>[vector<16xi32>, vector<16xi32>, vector<16xi32>], vector<16xf32>,
      %get3A_1522 = arith.index_cast %add3A_1500 : i32 to index
      %get3A_1523 = arith.constant 16 : index
      %get3A_1524 = tpu.vector_load %arg8[%get3A_1522, %get3A_1523] {strides = array<i32>} : memref<256x64xf32, #tpu.memory_space<vmem>>, vector<16xf32>,
      %add3A_1525 = arith.addf %gather3A_1521, %get3A_1524 : vector<16xf32>
      %swap3A_1526 = arith.index_cast %add3A_1506 : i32 to index
      %swap3A_1527 = arith.constant 16 : index
      %swap3A_1528 = tpu.vector_load %arg10[%swap3A_1526, %swap3A_1527] {strides = array<i32>} : memref<16x64xf32, #tpu.memory_space<vmem>>, vector<16xf32>,
      tpu.vector_store %arg10[%swap3A_1526, %swap3A_1527], %add3A_1525 {strides = array<i32>} : memref<16x64xf32, #tpu.memory_space<vmem>>, vector<16xf32>,
      %add3A_1529 = arith.constant 32 : i32
      %add3A_1530 = vector.broadcast %add3A_1529 : i32 to vector<16xi32>
      %add3A_1531 = arith.addi %iota3A, %add3A_1530 : vector<16xi32>
      %gather3A_1532 = tpu.vector_load_idx %arg9[%broadcast_in_dim3A_1487, %add3A_1531, %broadcast_in_dim3A_1496] : memref<9x64x128xf32, #tpu.memory_space<vmem>>[vector<16xi32>, vector<16xi32>, vector<16xi32>], vector<16xf32>,
      %get3A_1533 = arith.index_cast %add3A_1500 : i32 to index
      %get3A_1534 = arith.constant 32 : index
      %get3A_1535 = tpu.vector_load %arg8[%get3A_1533, %get3A_1534] {strides = array<i32>} : memref<256x64xf32, #tpu.memory_space<vmem>>, vector<16xf32>,
      %add3A_1536 = arith.addf %gather3A_1532, %get3A_1535 : vector<16xf32>
      %swap3A_1537 = arith.index_cast %add3A_1506 : i32 to index
      %swap3A_1538 = arith.constant 32 : index
      %swap3A_1539 = tpu.vector_load %arg10[%swap3A_1537, %swap3A_1538] {strides = array<i32>} : memref<16x64xf32, #tpu.memory_space<vmem>>, vector<16xf32>,
      tpu.vector_store %arg10[%swap3A_1537, %swap3A_1538], %add3A_1536 {strides = array<i32>} : memref<16x64xf32, #tpu.memory_space<vmem>>, vector<16xf32>,
      %add3A_1540 = arith.constant 48 : i32
      %add3A_1541 = vector.broadcast %add3A_1540 : i32 to vector<16xi32>
      %add3A_1542 = arith.addi %iota3A, %add3A_1541 : vector<16xi32>
      %gather3A_1543 = tpu.vector_load_idx %arg9[%broadcast_in_dim3A_1487, %add3A_1542, %broadcast_in_dim3A_1496] : memref<9x64x128xf32, #tpu.memory_space<vmem>>[vector<16xi32>, vector<16xi32>, vector<16xi32>], vector<16xf32>,
      %get3A_1544 = arith.index_cast %add3A_1500 : i32 to index
      %get3A_1545 = arith.constant 48 : index
      %get3A_1546 = tpu.vector_load %arg8[%get3A_1544, %get3A_1545] {strides = array<i32>} : memref<256x64xf32, #tpu.memory_space<vmem>>, vector<16xf32>,
      %add3A_1547 = arith.addf %gather3A_1543, %get3A_1546 : vector<16xf32>
      %swap3A_1548 = arith.index_cast %add3A_1506 : i32 to index
      %swap3A_1549 = arith.constant 48 : index
      %swap3A_1550 = tpu.vector_load %arg10[%swap3A_1548, %swap3A_1549] {strides = array<i32>} : memref<16x64xf32, #tpu.memory_space<vmem>>, vector<16xf32>,
      tpu.vector_store %arg10[%swap3A_1548, %swap3A_1549], %add3A_1547 {strides = array<i32>} : memref<16x64xf32, #tpu.memory_space<vmem>>, vector<16xf32>,
      %mul3A_1551 = arith.constant 8 : i32
      %mul3A_1552 = arith.muli %rem3A_256, %mul3A_1551 : i32
      %mul3A_1553 = arith.constant 8 : i32
      %mul3A_1554 = arith.muli %scan3A_251, %mul3A_1553 : i32
      %add3A_1555 = arith.addi %mul3A_2, %mul3A_1554 : i32
      %dma_start3A_1556 = arith.constant 0 : i32
      %dma_start3A_1557 = tpu.memref_slice %arg10[%mul3A_1552, %dma_start3A_1556] : memref<16x64xf32, #tpu.memory_space<vmem>> -> memref<8x64xf32, #tpu.memory_space<vmem>>
      %dma_start3A_1558 = arith.constant 0 : i32
      %dma_start3A_1559 = tpu.memref_slice %arg6[%add3A_1555, %dma_start3A_1558] : memref<8192x64xf32, #tpu.memory_space<hbm>> -> memref<8x64xf32, #tpu.memory_space<hbm>>
      %dma_start3A_1560 = arith.constant 0 : i32
      %dma_start3A_1561 = tpu.memref_slice %arg6[%add3A_1555, %dma_start3A_1560] : memref<8192x64xf32, #tpu.memory_space<hbm>> -> memref<8x64xf32, #tpu.memory_space<hbm>>
      %dma_start3A_1562 = arith.constant 0 : i32
      %dma_start3A_1563 = tpu.memref_slice %arg10[%mul3A_1552, %dma_start3A_1562] : memref<16x64xf32, #tpu.memory_space<vmem>> -> memref<8x64xf32, #tpu.memory_space<vmem>>
      tpu.enqueue_dma source(%dma_start3A_1563 : memref<8x64xf32, #tpu.memory_space<vmem>>) target(%dma_start3A_1561 : memref<8x64xf32, #tpu.memory_space<hbm>>) target_semaphore(%arg14 : memref<!tpu.dma_semaphore, #tpu.memory_space<semaphore_mem>>)
      %scan3A_1564 = arith.constant 0 : i32
      scf.yield %scan3A_1564 : i32
    }
    %scan3A_180 = arith.constant 32 : i32
    %dma_wait3A_181 = arith.constant 0 : i32
    %dma_wait3A_182 = arith.constant 0 : i32
    %dma_wait3A_183 = arith.constant 0 : i32
    %dma_wait3A_184 = tpu.memref_slice %arg9[%dma_wait3A_181, %dma_wait3A_182, %dma_wait3A_183] : memref<9x64x128xf32, #tpu.memory_space<vmem>> -> memref<1x64x128xf32, #tpu.memory_space<vmem>>
    %dma_wait3A_185 = tpu.memref_squeeze %dma_wait3A_184 : memref<1x64x128xf32, #tpu.memory_space<vmem>> -> memref<64x128xf32, #tpu.memory_space<vmem>>
    %dma_wait3A_186 = arith.constant 0 : i32
    %dma_wait3A_187 = arith.constant 0 : i32
    %dma_wait3A_188 = tpu.memref_slice %arg4[%dma_wait3A_186, %dma_wait3A_187] : memref<64x1000000xf32, #tpu.memory_space<hbm>> -> memref<64x128xf32, #tpu.memory_space<hbm>>
    %dma_wait3A_189 = arith.constant 0 : i32
    %dma_wait3A_190 = arith.constant 0 : i32
    %dma_wait3A_191 = tpu.memref_slice %arg9[%dma_wait3A_181, %dma_wait3A_189, %dma_wait3A_190] : memref<9x64x128xf32, #tpu.memory_space<vmem>> -> memref<1x64x128xf32, #tpu.memory_space<vmem>>
    %dma_wait3A_192 = tpu.memref_squeeze %dma_wait3A_191 : memref<1x64x128xf32, #tpu.memory_space<vmem>> -> memref<64x128xf32, #tpu.memory_space<vmem>>
    %dma_wait3A_193 = arith.constant 0 : i32
    %dma_wait3A_194 = arith.constant 0 : i32
    %dma_wait3A_195 = tpu.memref_slice %arg4[%dma_wait3A_193, %dma_wait3A_194] : memref<64x1000000xf32, #tpu.memory_space<hbm>> -> memref<64x128xf32, #tpu.memory_space<hbm>>
    tpu.wait_dma2 semaphore(%arg11 : memref<!tpu.dma_semaphore, #tpu.memory_space<semaphore_mem>>) src(%dma_wait3A_195 : memref<64x128xf32, #tpu.memory_space<hbm>>) dst(%dma_wait3A_192 : memref<64x128xf32, #tpu.memory_space<vmem>>)
    %dma_wait3A_196 = arith.constant 1 : i32
    %dma_wait3A_197 = arith.constant 0 : i32
    %dma_wait3A_198 = arith.constant 0 : i32
    %dma_wait3A_199 = tpu.memref_slice %arg9[%dma_wait3A_196, %dma_wait3A_197, %dma_wait3A_198] : memref<9x64x128xf32, #tpu.memory_space<vmem>> -> memref<1x64x128xf32, #tpu.memory_space<vmem>>
    %dma_wait3A_200 = tpu.memref_squeeze %dma_wait3A_199 : memref<1x64x128xf32, #tpu.memory_space<vmem>> -> memref<64x128xf32, #tpu.memory_space<vmem>>
    %dma_wait3A_201 = arith.constant 0 : i32
    %dma_wait3A_202 = arith.constant 0 : i32
    %dma_wait3A_203 = tpu.memref_slice %arg4[%dma_wait3A_201, %dma_wait3A_202] : memref<64x1000000xf32, #tpu.memory_space<hbm>> -> memref<64x128xf32, #tpu.memory_space<hbm>>
    %dma_wait3A_204 = arith.constant 0 : i32
    %dma_wait3A_205 = arith.constant 0 : i32
    %dma_wait3A_206 = tpu.memref_slice %arg9[%dma_wait3A_196, %dma_wait3A_204, %dma_wait3A_205] : memref<9x64x128xf32, #tpu.memory_space<vmem>> -> memref<1x64x128xf32, #tpu.memory_space<vmem>>
    %dma_wait3A_207 = tpu.memref_squeeze %dma_wait3A_206 : memref<1x64x128xf32, #tpu.memory_space<vmem>> -> memref<64x128xf32, #tpu.memory_space<vmem>>
    %dma_wait3A_208 = arith.constant 0 : i32
    %dma_wait3A_209 = arith.constant 0 : i32
    %dma_wait3A_210 = tpu.memref_slice %arg4[%dma_wait3A_208, %dma_wait3A_209] : memref<64x1000000xf32, #tpu.memory_space<hbm>> -> memref<64x128xf32, #tpu.memory_space<hbm>>
    tpu.wait_dma2 semaphore(%arg11 : memref<!tpu.dma_semaphore, #tpu.memory_space<semaphore_mem>>) src(%dma_wait3A_210 : memref<64x128xf32, #tpu.memory_space<hbm>>) dst(%dma_wait3A_207 : memref<64x128xf32, #tpu.memory_space<vmem>>)
    %dma_wait3A_211 = arith.constant 2 : i32
    %dma_wait3A_212 = arith.constant 0 : i32
    %dma_wait3A_213 = arith.constant 0 : i32
    %dma_wait3A_214 = tpu.memref_slice %arg9[%dma_wait3A_211, %dma_wait3A_212, %dma_wait3A_213] : memref<9x64x128xf32, #tpu.memory_space<vmem>> -> memref<1x64x128xf32, #tpu.memory_space<vmem>>
    %dma_wait3A_215 = tpu.memref_squeeze %dma_wait3A_214 : memref<1x64x128xf32, #tpu.memory_space<vmem>> -> memref<64x128xf32, #tpu.memory_space<vmem>>
    %dma_wait3A_216 = arith.constant 0 : i32
    %dma_wait3A_217 = arith.constant 0 : i32
    %dma_wait3A_218 = tpu.memref_slice %arg4[%dma_wait3A_216, %dma_wait3A_217] : memref<64x1000000xf32, #tpu.memory_space<hbm>> -> memref<64x128xf32, #tpu.memory_space<hbm>>
    %dma_wait3A_219 = arith.constant 0 : i32
    %dma_wait3A_220 = arith.constant 0 : i32
    %dma_wait3A_221 = tpu.memref_slice %arg9[%dma_wait3A_211, %dma_wait3A_219, %dma_wait3A_220] : memref<9x64x128xf32, #tpu.memory_space<vmem>> -> memref<1x64x128xf32, #tpu.memory_space<vmem>>
    %dma_wait3A_222 = tpu.memref_squeeze %dma_wait3A_221 : memref<1x64x128xf32, #tpu.memory_space<vmem>> -> memref<64x128xf32, #tpu.memory_space<vmem>>
    %dma_wait3A_223 = arith.constant 0 : i32
    %dma_wait3A_224 = arith.constant 0 : i32
    %dma_wait3A_225 = tpu.memref_slice %arg4[%dma_wait3A_223, %dma_wait3A_224] : memref<64x1000000xf32, #tpu.memory_space<hbm>> -> memref<64x128xf32, #tpu.memory_space<hbm>>
    tpu.wait_dma2 semaphore(%arg11 : memref<!tpu.dma_semaphore, #tpu.memory_space<semaphore_mem>>) src(%dma_wait3A_225 : memref<64x128xf32, #tpu.memory_space<hbm>>) dst(%dma_wait3A_222 : memref<64x128xf32, #tpu.memory_space<vmem>>)
    %dma_wait3A_226 = arith.constant 3 : i32
    %dma_wait3A_227 = arith.constant 0 : i32
    %dma_wait3A_228 = arith.constant 0 : i32
    %dma_wait3A_229 = tpu.memref_slice %arg9[%dma_wait3A_226, %dma_wait3A_227, %dma_wait3A_228] : memref<9x64x128xf32, #tpu.memory_space<vmem>> -> memref<1x64x128xf32, #tpu.memory_space<vmem>>
    %dma_wait3A_230 = tpu.memref_squeeze %dma_wait3A_229 : memref<1x64x128xf32, #tpu.memory_space<vmem>> -> memref<64x128xf32, #tpu.memory_space<vmem>>
    %dma_wait3A_231 = arith.constant 0 : i32
    %dma_wait3A_232 = arith.constant 0 : i32
    %dma_wait3A_233 = tpu.memref_slice %arg4[%dma_wait3A_231, %dma_wait3A_232] : memref<64x1000000xf32, #tpu.memory_space<hbm>> -> memref<64x128xf32, #tpu.memory_space<hbm>>
    %dma_wait3A_234 = arith.constant 0 : i32
    %dma_wait3A_235 = arith.constant 0 : i32
    %dma_wait3A_236 = tpu.memref_slice %arg9[%dma_wait3A_226, %dma_wait3A_234, %dma_wait3A_235] : memref<9x64x128xf32, #tpu.memory_space<vmem>> -> memref<1x64x128xf32, #tpu.memory_space<vmem>>
    %dma_wait3A_237 = tpu.memref_squeeze %dma_wait3A_236 : memref<1x64x128xf32, #tpu.memory_space<vmem>> -> memref<64x128xf32, #tpu.memory_space<vmem>>
    %dma_wait3A_238 = arith.constant 0 : i32
    %dma_wait3A_239 = arith.constant 0 : i32
    %dma_wait3A_240 = tpu.memref_slice %arg4[%dma_wait3A_238, %dma_wait3A_239] : memref<64x1000000xf32, #tpu.memory_space<hbm>> -> memref<64x128xf32, #tpu.memory_space<hbm>>
    tpu.wait_dma2 semaphore(%arg11 : memref<!tpu.dma_semaphore, #tpu.memory_space<semaphore_mem>>) src(%dma_wait3A_240 : memref<64x128xf32, #tpu.memory_space<hbm>>) dst(%dma_wait3A_237 : memref<64x128xf32, #tpu.memory_space<vmem>>)
    %dma_wait3A_241 = arith.constant 0 : i32
    %dma_wait3A_242 = arith.constant 0 : i32
    %dma_wait3A_243 = tpu.memref_slice %arg10[%dma_wait3A_241, %dma_wait3A_242] : memref<16x64xf32, #tpu.memory_space<vmem>> -> memref<8x64xf32, #tpu.memory_space<vmem>>
    %dma_wait3A_244 = arith.constant 0 : i32
    %dma_wait3A_245 = tpu.memref_slice %arg6[%mul3A_2, %dma_wait3A_244] : memref<8192x64xf32, #tpu.memory_space<hbm>> -> memref<8x64xf32, #tpu.memory_space<hbm>>
    %dma_wait3A_246 = arith.constant 0 : i32
    %dma_wait3A_247 = tpu.memref_slice %arg6[%mul3A_2, %dma_wait3A_246] : memref<8192x64xf32, #tpu.memory_space<hbm>> -> memref<8x64xf32, #tpu.memory_space<hbm>>
    %dma_wait3A_248 = arith.constant 0 : i32
    %dma_wait3A_249 = arith.constant 0 : i32
    %dma_wait3A_250 = tpu.memref_slice %arg10[%dma_wait3A_248, %dma_wait3A_249] : memref<16x64xf32, #tpu.memory_space<vmem>> -> memref<8x64xf32, #tpu.memory_space<vmem>>
    tpu.wait_dma2 semaphore(%arg14 : memref<!tpu.dma_semaphore, #tpu.memory_space<semaphore_mem>>) src(%dma_wait3A_250 : memref<8x64xf32, #tpu.memory_space<vmem>>) dst(%dma_wait3A_247 : memref<8x64xf32, #tpu.memory_space<hbm>>)
    return
  }
}

</mosaic_0001>

<sc_bundles>
// kernel: kernel.3.cloned.1.call-start
scs
__scs_entry_jumppad:
0x0: {  	(pc) =	sbr.rel $0x88, $3  }
0x1: {  	(tag) =	ssettag $0x0;
	lr =	simm.s32 $0x1  }
0x2: {  	[smem:$0x3F9F] =	sst lr;
	_ =	strace $0xD0000000  }
0x3: {  	_ = 	snop  }
0x4: {  	_ = 	snop  }
0x5: {  	_ = 	snop  }
0x6: {  	_ = 	snop  }
0x7: {  	_ = 	snop  }
__scs_overlays_trampoline_lowered:
0x8: {  	[smem:$0x3FAE] =	sst s0  }
0x9: {  	[smem:$0x3FAF] =	sst s1  }
0xa: {  	[smem:$0x3FB0] =	sst s2  }
0xb: {  	[smem:$0x3FB1] =	sst s3  }
0xc: {  	[smem:$0x3FB2] =	sst s4  }
0xd: {  	[smem:$0x3FB3] =	sst s5  }
0xe: {  	[smem:$0x3FB4] =	sst s6  }
0xf: {  	[smem:$0x3FB5] =	sst s7  }
0x10: {  	[smem:$0x3FB6] =	sst s8  }
0x11: {  	[smem:$0x3FB7] =	sst s9;
	s0 =	simm.s32 @!p0 $0x0  }
0x12: {  	s1 =	sld [smem:$0x3F9D];
	s0 =	simm.s32 @p0 $0x1  }
0x13: {  	[smem:$0x3FB8] =	sst s0;
	s0 =	simm.s32 @!p1 $0x0  }
0x14: {  	s2 =	sld [smem:$0x3F9C];
	s0 =	simm.s32 @p1 $0x1  }
0x15: {  	[smem:$0x3FB9] =	sst s0;
	s0 =	simm.s32 @!p2 $0x0  }
0x16: {  	s3 =	sld [smem:$0x3FDB];
	s0 =	simm.s32 @p2 $0x1  }
0x17: {  	s4 =	simm.s32 $0x1BF5;
	[smem:$0x3FBB] =	sst s0  }
0x18: {  	s0 =	sld [smem:$0x3F9E];
	_ =	swait.ge [sflag:s4], $0x0  }
0x19: {  	s7 =	sld [smem:$0x3F9F]  }
0x1a: {  	s8 =	sadd.s32 $0xFFFFE003, lr  }
0x1b: {  	s9 =	sadd.s32 $0xFFFFFEF7, lr;
	s5 =	simm.s32 $0xFFFFFFFF;
	p2 =	slt.u32 s8, $0xFFFFF086  }
0x1c: {  	p1 =	slt.u32 s9, $0xF7A;
	s5 =	simm.s32 @!p2 $0x0  }
0x1d: {  	s5 =	simm.s32 @p1 $0x1;
	p0 =	seq.s32 s7, s2  }
0x1e: {  	s7 =	smul.u32 @!p0 $0xF7A, s2;
	p2 =	seq.s32 @!p0 s5, $0x0  }
0x1f: {  	s9 =	smul.u32 $0xF7A, s1;
	s8 =	simm.s32 @!p0 $0x1BF5;
	p2 =	por !p2, p0  }
0x20: {  	[sflag:s8] =	ssyncset.s32 @!p0 $0xFFFFF086;
	s6 =	sadd.s32 @!p0 s3, s7;
	s7 =	simm.s32 @!p0 $0x108  }
0x21: {  	s3 =	sadd.s32 s3, s9;
	s6 =	sadd.s32 @!p0 $0x88, s6;
	s7 =	simm.s32 @p2 $0x1082  }
0x22: {  	[simem:s7], [sflag:s8] =	dma.local @!p0 [hbm:s6], $0xF7A  }
0x23: {  	s9 =	sor.u32 $0xD0000000, s2;
	s6 =	simm.s32 $0x108;
	_ =	swait.ge @!p0 [sflag:s8], $0x0  }
0x24: {  	s3 =	sadd.s32 $0x88, s3;
	s6 =	simm.s32 @!p1 $0x1082;
	[sflag:s4] =	ssyncset.s32 $0xFFFFF086  }
0x25: {  	[simem:s6], [sflag:s4] =	dma.local [hbm:s3], $0xF7A  }
0x26: {  	[smem:$0x3F9F] =	sst s1;
	(tag) =	ssettag s2;
	_ =	strace s9  }
0x27: {  	s1 =	sld [smem:$0x3FAF]  }
0x28: {  	s2 =	sld [smem:$0x3FB0]  }
0x29: {  	s4 =	sld [smem:$0x3FB2]  }
0x2a: {  	p0 =	seq.s32 s5, $0x0;
	s5 =	sld [smem:$0x3FB3]  }
0x2b: {  	s6 =	sld [smem:$0x3FB4]  }
0x2c: {  	s7 =	sld [smem:$0x3FB5]  }
0x2d: {  	s3 =	simm.s32 $0x108;
	s8 =	sld [smem:$0x3FB6]  }
0x2e: {  	s3 =	simm.s32 @!p0 $0x1082;
	s9 =	sld [smem:$0x3FB7]  }
0x2f: {  	lr =	sadd.s32 s0, s3;
	s0 =	sld [smem:$0x3FAE]  }
0x30: {  	s3 =	sld [smem:$0x3FB1]  }
0x31: {  	[smem:$0x3FBA] =	sst s10  }
0x32: {  	s10 =	sld [smem:$0x3FB8];
	_ =	sdelay $0x3  }
0x33: {  	p0 =	seq.s32 s10, $0x1;
	s10 =	sld [smem:$0x3FBA];
	_ =	sdelay $0x3  }
0x34: {  	[smem:$0x3FBA] =	sst s10  }
0x35: {  	s10 =	sld [smem:$0x3FB9];
	_ =	sdelay $0x3  }
0x36: {  	p1 =	seq.s32 s10, $0x1;
	s10 =	sld [smem:$0x3FBA];
	_ =	sdelay $0x3  }
0x37: {  	[smem:$0x3FBA] =	sst s10  }
0x38: {  	s10 =	sld [smem:$0x3FBB]  }
0x39: {  	_ = 	snop;
	(pc) =	sbr.ind lr, $3  }
0x3a: {  	_ = 	snop  }
0x3b: {  	_ = 	snop  }
0x3c: {  	p2 =	seq.s32 s10, $0x1;
	s10 =	sld [smem:$0x3FBA]  }
0x3d: {  	_ =	shalt  }
0x3e: {  	_ =	shalt  }
0x3f: {  	_ =	shalt  }
0x40: {  	_ =	shalt  }
0x41: {  	_ =	shalt  }
0x42: {  	_ =	shalt  }
0x43: {  	_ =	shalt  }
0x44: {  	_ =	shalt  }
0x45: {  	_ =	shalt  }
0x46: {  	_ =	shalt  }
0x47: {  	_ =	shalt  }
0x48: {  	_ =	shalt  }
0x49: {  	_ =	shalt  }
0x4a: {  	_ =	shalt  }
0x4b: {  	_ =	shalt  }
0x4c: {  	_ =	shalt  }
0x4d: {  	_ =	shalt  }
0x4e: {  	_ =	shalt  }
0x4f: {  	_ =	shalt  }
0x50: {  	_ =	shalt  }
0x51: {  	_ =	shalt  }
0x52: {  	_ =	shalt  }
0x53: {  	_ =	shalt  }
0x54: {  	_ =	shalt  }
0x55: {  	_ =	shalt  }
0x56: {  	_ =	shalt  }
0x57: {  	_ =	shalt  }
0x58: {  	_ =	shalt  }
0x59: {  	_ =	shalt  }
0x5a: {  	_ =	shalt  }
0x5b: {  	_ =	shalt  }
0x5c: {  	_ =	shalt  }
0x5d: {  	_ =	shalt  }
0x5e: {  	_ =	shalt  }
0x5f: {  	_ =	shalt  }
0x60: {  	_ =	shalt  }
0x61: {  	_ =	shalt  }
0x62: {  	_ =	shalt  }
0x63: {  	_ =	shalt  }
0x64: {  	_ =	shalt  }
0x65: {  	_ =	shalt  }
0x66: {  	_ =	shalt  }
0x67: {  	_ =	shalt  }
0x68: {  	_ =	shalt  }
0x69: {  	_ =	shalt  }
0x6a: {  	_ =	shalt  }
0x6b: {  	_ =	shalt  }
0x6c: {  	_ =	shalt  }
0x6d: {  	_ =	shalt  }
0x6e: {  	_ =	shalt  }
0x6f: {  	_ =	shalt  }
0x70: {  	_ =	shalt  }
0x71: {  	_ =	shalt  }
0x72: {  	_ =	shalt  }
0x73: {  	_ =	shalt  }
0x74: {  	_ =	shalt  }
0x75: {  	_ =	shalt  }
0x76: {  	_ =	shalt  }
0x77: {  	_ =	shalt  }
0x78: {  	_ =	shalt  }
0x79: {  	_ =	shalt  }
0x7a: {  	_ =	shalt  }
0x7b: {  	_ =	shalt  }
0x7c: {  	_ =	shalt  }
0x7d: {  	_ =	shalt  }
0x7e: {  	_ =	shalt  }
0x7f: {  	_ =	shalt  }
0x80: {  	_ =	shalt  }
0x81: {  	_ =	shalt  }
0x82: {  	_ =	shalt  }
0x83: {  	_ =	shalt  }
0x84: {  	_ =	shalt  }
0x85: {  	_ =	shalt  }
0x86: {  	_ =	shalt  }
0x87: {  	_ =	shalt  }
.Lfunc_end0:
.L_simem_size_0:
called_computation_lowered:
.L_overlay_start_0:
0x88: {  	s2 =	sld [smem:$0x3FD9]  }
0x89: {  	s3 =	sld [smem:$0x3FFE];
	_ =	sdelay $0x1  }
0x8a: {  	s1 =	srdreg.scid  }
0x8b: {  	s0 =	sand.u32 $0x1, s1  }
0x8c: {  	s17 =	sshll.u32 s0, $0xA;
	s2 =	sadd.s32 s3, s2  }
0x8d: {  	s2 =	sadd.s32 s2, s17  }
0x8e: {  	[smem:$0x3FC6] =	sst s2  }
0x8f: {  	_ = 	snop  }
0x90: {  	s2 =	sld [smem:$0x3FC8]  }
0x91: {  	s18 =	sld [smem:$0x3FD0];
	(tm) =	ssettm $0x1  }
0x92: {  	s4 =	sld [smem:$0x3FFB];
	_ =	sdelay $0x3  }
0x93: {  	_ =	strace s4  }
0x94: {  	s4 =	sld [smem:$0x3FFC];
	_ =	sdelay $0x3  }
0x95: {  	_ =	strace s4  }
0x96: {  	s4 =	sld [smem:$0x3FFD];
	_ =	sdelay $0x3  }
0x97: {  	_ =	strace s4  }
0x98: {  	_ =	strace $0x8FFFFFFF  }
0x99: {  	s19 =	sld [smem:$0x3FDB];
	_ =	sdelay $0x1  }
0x9a: {  	s5 =	simm.s32 $_scs_section_size  }
0x9b: {  	s6 =	simm.s32 $_size__tile_overlayer_lowered;
	s7 =	simm.s32 $_tile_overlayer_lowered  }
0x9c: {  	s22 =	simm.s32 $0x1BFF;
	s21 =	sshll.u32 s7, $0x1;
	s4 =	sadd.s32 s5, s19  }
0x9d: {  	s8 =	simm.s32 $0x0;
	s20 =	sshll.u32 s6, $0x1;
	s6 =	sadd.s32 s21, s4  }
0x9e: {  	[timem:s8], [sflag:s22] =	dma.local [hbm:s6], s20  }
0x9f: {  	_ =	swait.ge [sflag:s22], s20  }
0xa0: {  	s5 =	ssub.s32 $0x0, s20;
	[sflag:s22] =	ssyncset.done $0x0  }
0xa1: {  	[sflag:s22] =	ssyncadd.s32 s5;
	_ =	sdelay $0x1  }
0xa2: {  	s23 =	simm.s32 $0x1B8B  }
0xa3: {  	_ =	swait.ge [sflag:s23], $0x1  }
0xa4: {  	[sflag:s23] =	ssyncset.done $0x0  }
0xa5: {  	s25 =	simm.s32 $0x1B8E;
	s24 =	sld [smem:$0x3FFE];
	[sflag:s23] =	ssyncadd.s32 $0xFFFFFFFF  }
0xa6: {  	s26 =	simm.s32 $execute0_lowered;
	[smem:$0x3FD2] =	sst s25  }
0xa7: {  	s6 =	sshll.u32 s26, $0x1;
	_ =	strace $0x80000046;
	[dreg:$0x1] =	wrdreg $0xFFFFFFFF  }
0xa8: {  	s28 =	simm.s32 $_size_execute0_lowered;
	s4 =	sadd.s32 s4, s6;
	[dreg:$0x0] =	wrdreg $0x0  }
0xa9: {  	s6 =	sshll.u32 s28, $0x1;
	[dreg:$0x2] =	wrdreg s4  }
0xaa: {  	[dreg:$0x3] =	wrdreg s6  }
0xab: {  	[dreg:$0x4] =	wrdreg $0xC0  }
0xac: {  	_ =	task [dreg:s8], $0x5FFFF  }
0xad: {  	[dreg:$0x1] =	wrdreg $0xFFFFFFFF  }
0xae: {  	[dreg:$0x0] =	wrdreg $0x60  }
0xaf: {  	[dreg:$0x2] =	wrdreg s24  }
0xb0: {  	[dreg:$0x3] =	wrdreg s18  }
0xb1: {  	[dreg:$0x4] =	wrdreg s2  }
0xb2: {  	[dreg:$0x5] =	wrdreg $0x9  }
0xb3: {  	_ =	task.clear_ibuf [dreg:s8], $0x6FFFF;
	_ =	strace $0x90000046  }
0xb4: {  	s29 =	simm.s32 $0x9;
	_ =	strace $0x80000048  }
0xb5: {  	_ =	swait.ge [sflag:s29], $0x1  }
0xb6: {  	[sflag:s29] =	ssyncadd.s32 $0xFFFFFFFF  }
0xb7: {  	_ =	strace $0x90000048  }
0xb8: {  	_ =	sfence  }
0xb9: {  	s30 =	sld [smem:$0x0];
	_ =	sdelay $0x2  }
0xba: {  	s31 =	sshll.u32 s1, $0xD;
	s1 =	sshrl.u32 s1, $0x2  }
0xbb: {  	s3 =	sand.u32 $0x4000, s31;
	s1 =	sadd.s32 s1, s30  }
0xbc: {  	s0 =	sor.u32 s3, s0;
	s1 =	sshll.u32 s1, $0x11  }
0xbd: {  	s0 =	sor.u32 s1, s0  }
0xbe: {  	s0 =	sadd.s32 $0x8F2B, s0  }
0xbf: {  	[sflag:s0] =	ssyncadd.remote.s32 $0x1  }
0xc0: {  	_ =	sfence.sel $0xFFFF  }
0xc1: {  	[dreg:$0x0] =	wrdreg $0xFFFFFFFF;
	(pc) =	sbr.abs _section_cstart, $3  }
0xc2: {  	[dreg:$0x1] =	wrdreg $0xFFFFFFFF  }
0xc3: {  	_ =	task.clear_ibuf [dreg:s8], $0x2FFFF;
	_ =	strace $0x9FFFFFFF  }
0xc4: {  	(tm) =	ssettm $0x7FFFFFFF  }
0xc5: {  	_ =	shalt  }
tec
execute0_lowered:
.L_overlay_start_1:
0x0: {  	(tag) =	ssettag $0x1  }
0x1: {  	s5 =	rddreg [dreg:$0x0]  }
0x2: {  	s1 =	srdreg.scid;
	s6 =	rddreg [dreg:$0x1]  }
0x3: {  	s0 =	stileid.u32;
	s2 =	rddreg [dreg:$0x2]  }
0x4: {  	s3 =	simm.s32 $0x0;
	s12 =	simm.s32 $0x1;
	s13 =	simm.s32 $0x400  }
0x5: {  	s14 =	simm.s32 $0x7A1400;
	s16 =	simm.s32 $0x10180;
	s15 =	simm.s32 $0x8180  }
0x6: {  	s17 =	simm.s32 $0x12180;
	s18 =	simm.s32 $0x14180;
	s20 =	simm.s32 $0x16180  }
0x7: {  	s19 =	simm.s32 $0x3;
	s21 =	simm.s32 $0x4;
	s22 =	simm.s32 $0x0  }
0x8: {  	s7 =	sand.u32 $0x1, s1;
	s4 =	sshll.u32 s0, $0x9;
	[smem:$0x7FF] =	sst s3  }
0x9: {  	s10 =	sshll.u32 s0, $0xD;
	s8 =	sshll.u32 s7, $0x8;
	_ =	strace $0x80000047  }
0xa: {  	s11 =	ssub.s32 $0x2, s7;
	s10 =	sadd.s32 s10, s5;
	[dreg:$0x4] =	wrdreg s16  }
0xb: {  	s7 =	sshll.u32 s7, $0xC;
	s16 =	simm.s32 $0xA180;
	[dreg:$0x5] =	wrdreg s17  }
0xc: {  	s17 =	simm.s32 $0xC180;
	[dreg:$0x6] =	wrdreg s18;
	s18 =	simm.s32 $0xE180  }
0xd: {  	[dreg:$0x7] =	wrdreg s20;
	s20 =	simm.s32 $0x2;
	s8 =	sor.u32 s8, s4  }
0xe: {  	s30 =	sshrl.u32 s11, $0x1;
	s31 =	sadd.s32 s7, s10;
	s10 =	simm.s32 $0x18180  }
0xf: {  	v0 =	vlaneseq.u32;
	s4 =	sshrl.u32 s8, $0x3;
	s8 =	sshll.u32 s8, $0x4;
	s11 =	ssub.s32 s11, s30  }
0x10: {  	v0 =	vmul.u32 $0x80, v0;
	s9 =	sadd.s32 s4, s5;
	s4 =	sadd.s32 $0x800, s5;
	s8 =	sand.u32 $0x7000, s8  }
0x11: {  	s7 =	smax.u32 s11, $0x1;
	s11 =	simm.s32 $0x180;
	s5 =	sadd.s32 $0x400, s9  }
0x12: {  	v1 =	vor.u32 $0x800, v0;
	v2 =	vor.u32 $0x1000, v0;
	v3 =	vor.u32 $0x1800, v0;
	s6 =	sadd.s32 s6, s8;
	s8 =	sadd.s32 $0xC00, s31;
	s9 =	simm.s32 $0x5  }
.LBB2_1:
0x13: {  	[tilespmem:s3], [sflag:$0x5] =	stream.linear.gather [hbm4b:s5+s3], $0x100, $0x38;
	[tilespmem:$0x1A980] =	vst v63  }
0x14: {  	_ =	swait.ge [sflag:s9], $0x100  }
0x15: {  	[sflag:s9] =	ssyncset.done $0x0  }
0x16: {  	[sflag:s9] =	ssyncadd.s32 $0xFFFFFF00  }
0x17: {  	[tilespmem:s10], [sflag:$0x5] =	stream.linear.gather [hbm4b:s4+s3], $0x2000, $0x38;
	[tilespmem:$0x1A980] =	vst v63  }
0x18: {  	_ =	swait.ge [sflag:s9], $0x2000  }
0x19: {  	[sflag:s9] =	ssyncset.done $0x0  }
0x1a: {  	[sflag:s9] =	ssyncadd.s32 $0xFFFFE000  }
0x1b: {  	[tilespmem:s11], [sflag:$0x3] =	stream.linear.gather [hbm4b:s6+s3], $0x8000, $0x38;
	[tilespmem:$0x1A980] =	vst v63  }
0x1c: {  	v4 =	vld [tilespmem:$0x0];
	_ =	sdelay $0x4  }
0x1d: {  	(v2sf) =	vpush v4, $0x0;
	_ =	sdelay $0x6  }
0x1e: {  	(v2sf) =	vpush v4, $0x1;
	_ =	sdelay $0x7  }
0x1f: {  	s23 =	spop (v2sf)  }
0x20: {  	(v2sf) =	vpush v4, $0x2;
	s24 =	sand.u32 $0x7F, s23  }
0x21: {  	s25 =	sshra.s32 s23, $0x1F;
	p0 =	slt.s32 s23, $0x1;
	p1 =	sne.s32 s24, $0x0  }
0x22: {  	s31 =	sshrl.u32 s25, $0x19;
	p0 =	por !p0, !p1  }
0x23: {  	s24 =	simm.s32 $0x1;
	s23 =	sadd.s32 s31, s23;
	p0 =	por !p0, !p0  }
0x24: {  	s23 =	sshrl.u32 s23, $0x7;
	s24 =	simm.s32 @!p0 $0x0  }
0x25: {  	s23 =	ssub.s32 s23, s24  }
0x26: {  	s1 =	spop (v2sf);
	s23 =	sshll.u32 s23, $0x7  }
0x27: {  	s25 =	sand.u32 $0x7F, s1;
	s26 =	sshra.s32 s1, $0x1F;
	p0 =	slt.s32 s23, $0xF4180  }
0x28: {  	(v2sf) =	vpush v4, $0x3;
	p1 =	slt.s32 s1, $0x1;
	p2 =	sne.s32 s25, $0x0;
	s23 =	simm.s32 @!p0 $0xF4180  }
0x29: {  	s29 =	sshrl.u32 s26, $0x19;
	p0 =	por !p1, !p2;
	s23 =	sadd.s32 s2, s23  }
0x2a: {  	[tilespmem:s15], [sflag:$0x1] =	stream.strided.gather [hbm4b:s23+s13], $0x2000, s14, s13, $0x38;
	[tilespmem:$0x1A980] =	vst v63  }
0x2b: {  	s24 =	simm.s32 $0x1;
	p0 =	por !p0, !p0;
	s23 =	sadd.s32 s29, s1  }
0x2c: {  	s24 =	simm.s32 @!p0 $0x0;
	s23 =	sshrl.u32 s23, $0x7  }
0x2d: {  	s23 =	ssub.s32 s23, s24  }
0x2e: {  	s23 =	sshll.u32 s23, $0x7  }
0x2f: {  	p0 =	slt.s32 s23, $0xF4180;
	s30 =	spop (v2sf)  }
0x30: {  	s23 =	simm.s32 @!p0 $0xF4180;
	s31 =	sand.u32 $0x7F, s30;
	s1 =	sshra.s32 s30, $0x1F  }
0x31: {  	p3 =	slt.s32 s30, $0x1;
	s23 =	sadd.s32 s2, s23;
	p4 =	sne.s32 s31, $0x0  }
0x32: {  	[tilespmem:s16], [sflag:$0x1] =	stream.strided.gather [hbm4b:s23+s13], $0x2000, s14, s13, $0x38;
	[tilespmem:$0x1A980] =	vst v63  }
0x33: {  	s25 =	sshrl.u32 s1, $0x19;
	p0 =	por !p3, !p4  }
0x34: {  	s24 =	simm.s32 $0x1;
	s23 =	sadd.s32 s25, s30;
	p0 =	por !p0, !p0  }
0x35: {  	s23 =	sshrl.u32 s23, $0x7;
	s24 =	simm.s32 @!p0 $0x0  }
0x36: {  	s23 =	ssub.s32 s23, s24  }
0x37: {  	s26 =	spop (v2sf);
	s23 =	sshll.u32 s23, $0x7  }
0x38: {  	s29 =	sand.u32 $0x7F, s26;
	p5 =	slt.s32 s26, $0x1;
	p0 =	slt.s32 s23, $0xF4180  }
0x39: {  	s30 =	sshra.s32 s26, $0x1F;
	p6 =	sne.s32 s29, $0x0;
	s23 =	simm.s32 @!p0 $0xF4180  }
0x3a: {  	s31 =	sshrl.u32 s30, $0x19;
	p0 =	por !p5, !p6;
	s23 =	sadd.s32 s2, s23  }
0x3b: {  	[tilespmem:s17], [sflag:$0x1] =	stream.strided.gather [hbm4b:s23+s13], $0x2000, s14, s13, $0x38;
	[tilespmem:$0x1A980] =	vst v63  }
0x3c: {  	s24 =	simm.s32 $0x1;
	p0 =	por !p0, !p0;
	s23 =	sadd.s32 s31, s26  }
0x3d: {  	s24 =	simm.s32 @!p0 $0x0;
	s23 =	sshrl.u32 s23, $0x7  }
0x3e: {  	s23 =	ssub.s32 s23, s24  }
0x3f: {  	s23 =	sshll.u32 s23, $0x7  }
0x40: {  	p0 =	slt.s32 s23, $0xF4180  }
0x41: {  	s23 =	simm.s32 @!p0 $0xF4180  }
0x42: {  	s23 =	sadd.s32 s2, s23  }
0x43: {  	[tilespmem:s18], [sflag:$0x1] =	stream.strided.gather [hbm4b:s23+s13], $0x2000, s14, s13, $0x38;
	[tilespmem:$0x1A980] =	vst v63  }
0x44: {  	s28 =	simm.s32 $0x0;
	_ =	swait.ge [sflag:s19], $0x8000  }
0x45: {  	s25 =	simm.s32 $0x0;
	s26 =	smov.u32 s8;
	[sflag:s19] =	ssyncset.done $0x0  }
0x46: {  	s24 =	simm.s32 $0x4;
	s23 =	simm.s32 $0x380;
	[sflag:s19] =	ssyncadd.s32 $0xFFFF8000  }
.LBB2_2:
0x47: {  	p0 =	seq.s32 s28, $0x0  }
0x48: {  	s29 =	simm.s32 @!p0 $0x4  }
0x49: {  	_ =	swait.ge @!p0 [sflag:s29], $0x400  }
0x4a: {  	[sflag:s29] =	ssyncset.done @!p0 $0x0  }
0x4b: {  	[sflag:s29] =	ssyncadd.s32 @!p0 $0xFFFFFC00  }
0x4c: {  	v4 =	vld [tilespmem:s24+$0x0];
	_ =	sdelay $0x4  }
0x4d: {  	(v2sf) =	vpush v4, $0x0;
	_ =	sdelay $0xb  }
0x4e: {  	(v2sf) =	vpush v4, $0x1;
	_ =	sdelay $0x2  }
0x4f: {  	s29 =	spop (v2sf)  }
0x50: {  	s30 =	sand.u32 $0x7F, s29  }
0x51: {  	s31 =	sshra.s32 s29, $0x1F;
	p6 =	slt.s32 s29, $0x1;
	p1 =	sne.s32 s30, $0x0  }
0x52: {  	s1 =	sshrl.u32 s31, $0x19;
	p0 =	por !p6, !p1  }
0x53: {  	s30 =	simm.s32 $0x1;
	s29 =	sadd.s32 s1, s29;
	p0 =	por !p0, !p0  }
0x54: {  	s29 =	sshrl.u32 s29, $0x7;
	s30 =	simm.s32 @!p0 $0x0  }
0x55: {  	s29 =	ssub.s32 s29, s30  }
0x56: {  	s29 =	sshll.u32 s29, $0x7  }
0x57: {  	p0 =	slt.s32 s29, $0xF4180  }
0x58: {  	(v2sf) =	vpush v4, $0x2;
	s29 =	simm.s32 @!p0 $0xF4180  }
0x59: {  	s31 =	rddreg [dreg:$0x4];
	s29 =	sadd.s32 s2, s29  }
0x5a: {  	[tilespmem:s31], [sflag:$0x2] =	stream.strided.gather [hbm4b:s29+s13], $0x2000, s14, s13, $0x38;
	[tilespmem:$0x1A980] =	vst v63  }
0x5b: {  	s29 =	spop (v2sf)  }
0x5c: {  	s30 =	sand.u32 $0x7F, s29  }
0x5d: {  	s1 =	sshra.s32 s29, $0x1F;
	p1 =	slt.s32 s29, $0x1;
	p2 =	sne.s32 s30, $0x0  }
0x5e: {  	s1 =	sshrl.u32 s1, $0x19;
	p0 =	por !p1, !p2  }
0x5f: {  	s30 =	simm.s32 $0x1;
	s29 =	sadd.s32 s1, s29;
	p0 =	por !p0, !p0  }
0x60: {  	s29 =	sshrl.u32 s29, $0x7;
	s30 =	simm.s32 @!p0 $0x0  }
0x61: {  	s29 =	ssub.s32 s29, s30  }
0x62: {  	s29 =	sshll.u32 s29, $0x7  }
0x63: {  	p0 =	slt.s32 s29, $0xF4180  }
0x64: {  	(v2sf) =	vpush v4, $0x3;
	s29 =	simm.s32 @!p0 $0xF4180  }
0x65: {  	s31 =	rddreg [dreg:$0x5];
	s29 =	sadd.s32 s2, s29  }
0x66: {  	[tilespmem:s31], [sflag:$0x2] =	stream.strided.gather [hbm4b:s29+s13], $0x2000, s14, s13, $0x38;
	[tilespmem:$0x1A980] =	vst v63  }
0x67: {  	s29 =	spop (v2sf)  }
0x68: {  	s30 =	sand.u32 $0x7F, s29  }
0x69: {  	s1 =	sshra.s32 s29, $0x1F;
	p3 =	slt.s32 s29, $0x1;
	p4 =	sne.s32 s30, $0x0  }
0x6a: {  	s1 =	sshrl.u32 s1, $0x19;
	p0 =	por !p3, !p4  }
0x6b: {  	s30 =	simm.s32 $0x1;
	s29 =	sadd.s32 s1, s29;
	p0 =	por !p0, !p0  }
0x6c: {  	s29 =	sshrl.u32 s29, $0x7;
	s30 =	simm.s32 @!p0 $0x0  }
0x6d: {  	s29 =	ssub.s32 s29, s30  }
0x6e: {  	s29 =	sshll.u32 s29, $0x7  }
0x6f: {  	p0 =	slt.s32 s29, $0xF4180  }
0x70: {  	s29 =	simm.s32 @!p0 $0xF4180  }
0x71: {  	s31 =	rddreg [dreg:$0x6];
	s29 =	sadd.s32 s2, s29  }
0x72: {  	[tilespmem:s31], [sflag:$0x2] =	stream.strided.gather [hbm4b:s29+s13], $0x2000, s14, s13, $0x38;
	[tilespmem:$0x1A980] =	vst v63  }
0x73: {  	s29 =	spop (v2sf)  }
0x74: {  	s30 =	sand.u32 $0x7F, s29  }
0x75: {  	s1 =	sshra.s32 s29, $0x1F;
	p5 =	slt.s32 s29, $0x1;
	p6 =	sne.s32 s30, $0x0  }
0x76: {  	s1 =	sshrl.u32 s1, $0x19;
	p0 =	por !p5, !p6  }
0x77: {  	s30 =	simm.s32 $0x1;
	s29 =	sadd.s32 s1, s29;
	p0 =	por !p0, !p0  }
0x78: {  	s29 =	sshrl.u32 s29, $0x7;
	s30 =	simm.s32 @!p0 $0x0  }
0x79: {  	s29 =	ssub.s32 s29, s30  }
0x7a: {  	s29 =	sshll.u32 s29, $0x7  }
0x7b: {  	p0 =	slt.s32 s29, $0xF4180  }
0x7c: {  	s29 =	simm.s32 @!p0 $0xF4180  }
0x7d: {  	s31 =	rddreg [dreg:$0x7];
	s29 =	sadd.s32 s2, s29  }
0x7e: {  	[tilespmem:s31], [sflag:$0x2] =	stream.strided.gather [hbm4b:s29+s13], $0x2000, s14, s13, $0x38;
	[tilespmem:$0x1A980] =	vst v63  }
0x7f: {  	v4 =	vld [tilespmem:s24+$0xFFFFFFFC];
	_ =	swait.ge [sflag:s12], $0x2000  }
0x80: {  	[sflag:s12] =	ssyncset.done $0x0  }
0x81: {  	[sflag:s12] =	ssyncadd.s32 $0xFFFFE000  }
0x82: {  	_ =	swait.ge [sflag:s12], $0x2000  }
0x83: {  	[sflag:s12] =	ssyncset.done $0x0  }
0x84: {  	[sflag:s12] =	ssyncadd.s32 $0xFFFFE000  }
0x85: {  	_ =	swait.ge [sflag:s12], $0x2000  }
0x86: {  	[sflag:s12] =	ssyncset.done $0x0  }
0x87: {  	[sflag:s12] =	ssyncadd.s32 $0xFFFFE000  }
0x88: {  	_ =	swait.ge [sflag:s12], $0x2000  }
0x89: {  	(v2sf) =	vpush v4, $0x0;
	_ =	sdelay $0xe  }
0x8a: {  	s29 =	spop (v2sf)  }
0x8b: {  	s30 =	sand.u32 $0x7F, s29  }
0x8c: {  	s1 =	sshra.s32 s29, $0x1F;
	p1 =	slt.s32 s29, $0x1;
	p2 =	sne.s32 s30, $0x0  }
0x8d: {  	s1 =	sshrl.u32 s1, $0x19;
	p0 =	por !p1, !p2  }
0x8e: {  	s31 =	simm.s32 $0x1;
	s30 =	sadd.s32 s1, s29;
	p0 =	por !p0, !p0  }
0x8f: {  	s30 =	sshrl.u32 s30, $0x7;
	s31 =	simm.s32 @!p0 $0x0  }
0x90: {  	s30 =	ssub.s32 s30, s31  }
0x91: {  	s30 =	sshll.u32 s30, $0x7  }
0x92: {  	p0 =	slt.s32 s30, $0xF4180  }
0x93: {  	s30 =	simm.s32 @!p0 $0xF4180  }
0x94: {  	p0 =	sgt.s32 s29, $0xF41FF;
	s30 =	ssub.s32 $0x0, s30  }
0x95: {  	s30 =	simm.s32 @p0 $0xFFF0BE00  }
0x96: {  	s29 =	sadd.s32 s29, s30  }
0x97: {  	s30 =	simm.s32 $0x10000;
	v5 =	vmov s29  }
0x98: {  	s30 =	simm.s32 @!p0 $0x0;
	v6 =	vand.u32 $0xFFFFFF80, v5  }
0x99: {  	v5 =	vand.u32 $0x7F, v5;
	v6 =	vadd.s32 s30, v6  }
0x9a: {  	v5 =	vor.u32 v5, v6  }
0x9b: {  	v6 =	vadd.s32 v0, v5;
	_ =	sdelay $0x1  }
0x9c: {  	[sflag:s12] =	ssyncset.done $0x0  }
0x9d: {  	[sflag:s12] =	ssyncadd.s32 $0xFFFFE000;
	(v2sf) =	vpush v4, $0x1  }
0x9e: {  	v7 =	vld [tilespmem:s23+$0xFFFFFE00]  }
0x9f: {  	v6 =	vld.idx.msk [tilespmem:v6+s15+$0x0], $0xffff;
	_ =	sdelay $0x2  }
0xa0: {  	v8 =	vadd.s32 v1, v5;
	_ =	sdelay $0x1  }
0xa1: {  	v6 =	vadd.f32 v7, v6  }
0xa2: {  	s29 =	sand.u32 $0x400, s25  }
0xa3: {  	[tilespmem:s29+$0x1A180] =	vst v6  }
0xa4: {  	v6 =	vld.idx.msk [tilespmem:v8+s15+$0x0], $0xffff  }
0xa5: {  	v15 =	vld [tilespmem:s23+$0xFFFFFE10];
	_ =	sdelay $0x2  }
0xa6: {  	v16 =	vadd.s32 v2, v5  }
0xa7: {  	s30 =	spop (v2sf)  }
0xa8: {  	s31 =	sand.u32 $0x7F, s30;
	v6 =	vadd.f32 v15, v6  }
0xa9: {  	s1 =	sshra.s32 s30, $0x1F;
	p3 =	slt.s32 s30, $0x1;
	p4 =	sne.s32 s31, $0x0  }
0xaa: {  	s1 =	sshrl.u32 s1, $0x19;
	p0 =	por !p3, !p4;
	[tilespmem:s29+$0x1A190] =	vst v6  }
0xab: {  	s31 =	simm.s32 $0x1;
	s1 =	sadd.s32 s1, s30;
	p0 =	por !p0, !p0;
	v6 =	vld.idx.msk [tilespmem:v16+s15+$0x0], $0xffff  }
0xac: {  	s1 =	sshrl.u32 s1, $0x7;
	s31 =	simm.s32 @!p0 $0x0;
	v17 =	vld [tilespmem:s23+$0xFFFFFE20]  }
0xad: {  	s1 =	ssub.s32 s1, s31  }
0xae: {  	s1 =	sshll.u32 s1, $0x7  }
0xaf: {  	v5 =	vadd.s32 v3, v5;
	p0 =	slt.s32 s1, $0xF4180  }
0xb0: {  	s1 =	simm.s32 @!p0 $0xF4180  }
0xb1: {  	p0 =	sgt.s32 s30, $0xF41FF;
	s1 =	ssub.s32 $0x0, s1;
	v6 =	vadd.f32 v17, v6  }
0xb2: {  	s1 =	simm.s32 @p0 $0xFFF0BE00  }
0xb3: {  	s1 =	sadd.s32 s30, s1;
	[tilespmem:s29+$0x1A1A0] =	vst v6  }
0xb4: {  	s30 =	simm.s32 $0x10000;
	v18 =	vmov s1;
	v5 =	vld.idx.msk [tilespmem:v5+s15+$0x0], $0xffff  }
0xb5: {  	s30 =	simm.s32 @!p0 $0x2000;
	v20 =	vand.u32 $0xFFFFFF80, v18;
	v19 =	vld [tilespmem:s23+$0xFFFFFE30]  }
0xb6: {  	v8 =	vadd.s32 s30, v20;
	v6 =	vand.u32 $0x7F, v18  }
0xb7: {  	v6 =	vor.u32 v6, v8  }
0xb8: {  	v8 =	vadd.s32 v0, v6;
	_ =	sdelay $0x1  }
0xb9: {  	v5 =	vadd.f32 v19, v5;
	_ =	sdelay $0x1  }
0xba: {  	(v2sf) =	vpush v4, $0x2;
	[tilespmem:s29+$0x1A1B0] =	vst v5  }
0xbb: {  	v5 =	vld.idx.msk [tilespmem:v8+s15+$0x0], $0xffff  }
0xbc: {  	v21 =	vld [tilespmem:s23+$0xFFFFFE80];
	_ =	sdelay $0x2  }
0xbd: {  	v22 =	vadd.s32 v1, v6;
	_ =	sdelay $0x1  }
0xbe: {  	v5 =	vadd.f32 v21, v5;
	_ =	sdelay $0x1  }
0xbf: {  	[tilespmem:s29+$0x1A200] =	vst v5  }
0xc0: {  	v5 =	vld.idx.msk [tilespmem:v22+s15+$0x0], $0xffff  }
0xc1: {  	v23 =	vld [tilespmem:s23+$0xFFFFFE90];
	_ =	sdelay $0x2  }
0xc2: {  	v24 =	vadd.s32 v2, v6  }
0xc3: {  	s1 =	spop (v2sf)  }
0xc4: {  	s30 =	sand.u32 $0x7F, s1;
	v5 =	vadd.f32 v23, v5  }
0xc5: {  	s31 =	sshra.s32 s1, $0x1F;
	p5 =	slt.s32 s1, $0x1;
	p6 =	sne.s32 s30, $0x0  }
0xc6: {  	s31 =	sshrl.u32 s31, $0x19;
	p0 =	por !p5, !p6;
	[tilespmem:s29+$0x1A210] =	vst v5  }
0xc7: {  	s30 =	sadd.s32 s31, s1;
	s31 =	simm.s32 $0x1;
	p0 =	por !p0, !p0;
	v5 =	vld.idx.msk [tilespmem:v24+s15+$0x0], $0xffff  }
0xc8: {  	s30 =	sshrl.u32 s30, $0x7;
	s31 =	simm.s32 @!p0 $0x0;
	v25 =	vld [tilespmem:s23+$0xFFFFFEA0]  }
0xc9: {  	s30 =	ssub.s32 s30, s31  }
0xca: {  	s30 =	sshll.u32 s30, $0x7  }
0xcb: {  	p0 =	slt.s32 s30, $0xF4180;
	v6 =	vadd.s32 v3, v6  }
0xcc: {  	s30 =	simm.s32 @!p0 $0xF4180  }
0xcd: {  	p0 =	sgt.s32 s1, $0xF41FF;
	s30 =	ssub.s32 $0x0, s30;
	v5 =	vadd.f32 v25, v5  }
0xce: {  	s30 =	simm.s32 @p0 $0xFFF0BE00  }
0xcf: {  	s1 =	sadd.s32 s1, s30;
	[tilespmem:s29+$0x1A220] =	vst v5  }
0xd0: {  	s30 =	simm.s32 $0x10000;
	v26 =	vmov s1;
	v5 =	vld.idx.msk [tilespmem:v6+s15+$0x0], $0xffff  }
0xd1: {  	s30 =	simm.s32 @!p0 $0x4000;
	v28 =	vand.u32 $0xFFFFFF80, v26;
	v27 =	vld [tilespmem:s23+$0xFFFFFEB0]  }
0xd2: {  	v8 =	vadd.s32 s30, v28;
	v6 =	vand.u32 $0x7F, v26  }
0xd3: {  	v6 =	vor.u32 v6, v8  }
0xd4: {  	v8 =	vadd.s32 v0, v6;
	_ =	sdelay $0x1  }
0xd5: {  	v5 =	vadd.f32 v27, v5;
	_ =	sdelay $0x1  }
0xd6: {  	(v2sf) =	vpush v4, $0x3;
	[tilespmem:s29+$0x1A230] =	vst v5  }
0xd7: {  	v4 =	vld.idx.msk [tilespmem:v8+s15+$0x0], $0xffff  }
0xd8: {  	v5 =	vld [tilespmem:s23+$0xFFFFFF00];
	_ =	sdelay $0x2  }
0xd9: {  	v29 =	vadd.s32 v1, v6;
	_ =	sdelay $0x1  }
0xda: {  	v4 =	vadd.f32 v5, v4;
	_ =	sdelay $0x1  }
0xdb: {  	[tilespmem:s29+$0x1A280] =	vst v4  }
0xdc: {  	v4 =	vld.idx.msk [tilespmem:v29+s15+$0x0], $0xffff  }
0xdd: {  	v5 =	vld [tilespmem:s23+$0xFFFFFF10];
	_ =	sdelay $0x2  }
0xde: {  	v30 =	vadd.s32 v2, v6  }
0xdf: {  	s1 =	spop (v2sf)  }
0xe0: {  	s30 =	sand.u32 $0x7F, s1;
	v4 =	vadd.f32 v5, v4  }
0xe1: {  	s31 =	sshra.s32 s1, $0x1F;
	p1 =	slt.s32 s1, $0x1;
	p2 =	sne.s32 s30, $0x0  }
0xe2: {  	s31 =	sshrl.u32 s31, $0x19;
	p0 =	por !p1, !p2;
	[tilespmem:s29+$0x1A290] =	vst v4  }
0xe3: {  	s30 =	sadd.s32 s31, s1;
	s31 =	simm.s32 $0x1;
	p0 =	por !p0, !p0;
	v4 =	vld.idx.msk [tilespmem:v30+s15+$0x0], $0xffff  }
0xe4: {  	s30 =	sshrl.u32 s30, $0x7;
	s31 =	simm.s32 @!p0 $0x0;
	v5 =	vld [tilespmem:s23+$0xFFFFFF20]  }
0xe5: {  	s30 =	ssub.s32 s30, s31  }
0xe6: {  	s30 =	sshll.u32 s30, $0x7  }
0xe7: {  	p0 =	slt.s32 s30, $0xF4180;
	v6 =	vadd.s32 v3, v6  }
0xe8: {  	s30 =	simm.s32 @!p0 $0xF4180  }
0xe9: {  	p0 =	sgt.s32 s1, $0xF41FF;
	s30 =	ssub.s32 $0x0, s30;
	v4 =	vadd.f32 v5, v4  }
0xea: {  	s30 =	simm.s32 @p0 $0xFFF0BE00  }
0xeb: {  	s1 =	sadd.s32 s1, s30;
	[tilespmem:s29+$0x1A2A0] =	vst v4  }
0xec: {  	s30 =	simm.s32 $0x10000;
	v5 =	vmov s1;
	v4 =	vld.idx.msk [tilespmem:v6+s15+$0x0], $0xffff  }
0xed: {  	s30 =	simm.s32 @!p0 $0x6000;
	v32 =	vand.u32 $0xFFFFFF80, v5;
	v31 =	vld [tilespmem:s23+$0xFFFFFF30]  }
0xee: {  	v5 =	vand.u32 $0x7F, v5;
	v7 =	vadd.s32 s30, v32  }
0xef: {  	v5 =	vor.u32 v5, v7  }
0xf0: {  	v7 =	vadd.s32 v0, v5;
	_ =	sdelay $0x1  }
0xf1: {  	v4 =	vadd.f32 v31, v4;
	_ =	sdelay $0x1  }
0xf2: {  	[tilespmem:s29+$0x1A2B0] =	vst v4  }
0xf3: {  	v4 =	vld.idx.msk [tilespmem:v7+s15+$0x0], $0xffff  }
0xf4: {  	v33 =	vld [tilespmem:s23+$0xFFFFFF80];
	_ =	sdelay $0x2  }
0xf5: {  	v34 =	vadd.s32 v1, v5;
	_ =	sdelay $0x1  }
0xf6: {  	v4 =	vadd.f32 v33, v4;
	_ =	sdelay $0x1  }
0xf7: {  	[tilespmem:s29+$0x1A300] =	vst v4  }
0xf8: {  	v4 =	vld.idx.msk [tilespmem:v34+s15+$0x0], $0xffff  }
0xf9: {  	v35 =	vld [tilespmem:s23+$0xFFFFFF90];
	_ =	sdelay $0x2  }
0xfa: {  	v36 =	vadd.s32 v2, v5;
	_ =	sdelay $0x1  }
0xfb: {  	v4 =	vadd.f32 v35, v4;
	_ =	sdelay $0x1  }
0xfc: {  	[tilespmem:s29+$0x1A310] =	vst v4  }
0xfd: {  	v4 =	vld.idx.msk [tilespmem:v36+s15+$0x0], $0xffff  }
0xfe: {  	v37 =	vld [tilespmem:s23+$0xFFFFFFA0];
	_ =	sdelay $0x2  }
0xff: {  	v5 =	vadd.s32 v3, v5;
	_ =	sdelay $0x1  }
0x100: {  	v4 =	vadd.f32 v37, v4;
	_ =	sdelay $0x1  }
0x101: {  	[tilespmem:s29+$0x1A320] =	vst v4  }
0x102: {  	v4 =	vld.idx.msk [tilespmem:v5+s15+$0x0], $0xffff  }
0x103: {  	v5 =	vld [tilespmem:s23+$0xFFFFFFB0];
	_ =	sdelay $0x4  }
0x104: {  	v4 =	vadd.f32 v5, v4  }
0x105: {  	s30 =	smin.u32 s28, $0x3C  }
0x106: {  	s1 =	sshll.u32 s30, $0x2;
	[tilespmem:s29+$0x1A330] =	vst v4  }
0x107: {  	v4 =	vld [tilespmem:s1+$0x8];
	_ =	sdelay $0x4  }
0x108: {  	(v2sf) =	vpush v4, $0x0;
	_ =	sdelay $0xb  }
0x109: {  	(v2sf) =	vpush v4, $0x1;
	_ =	sdelay $0x2  }
0x10a: {  	s1 =	spop (v2sf)  }
0x10b: {  	s30 =	sand.u32 $0x7F, s1  }
0x10c: {  	s31 =	sshra.s32 s1, $0x1F;
	p3 =	slt.s32 s1, $0x1;
	p4 =	sne.s32 s30, $0x0  }
0x10d: {  	s31 =	sshrl.u32 s31, $0x19;
	p0 =	por !p3, !p4  }
0x10e: {  	s30 =	simm.s32 $0x1;
	s1 =	sadd.s32 s31, s1;
	p0 =	por !p0, !p0  }
0x10f: {  	s1 =	sshrl.u32 s1, $0x7;
	s30 =	simm.s32 @!p0 $0x0  }
0x110: {  	s1 =	ssub.s32 s1, s30  }
0x111: {  	(v2sf) =	vpush v4, $0x2;
	s1 =	sshll.u32 s1, $0x7  }
0x112: {  	p0 =	slt.s32 s1, $0xF4180  }
0x113: {  	s1 =	simm.s32 @!p0 $0xF4180  }
0x114: {  	s1 =	sadd.s32 s2, s1  }
0x115: {  	[tilespmem:s15], [sflag:$0x1] =	stream.strided.gather [hbm4b:s1+s13], $0x2000, s14, s13, $0x38;
	[tilespmem:$0x1A980] =	vst v63  }
0x116: {  	s1 =	spop (v2sf)  }
0x117: {  	s30 =	sand.u32 $0x7F, s1  }
0x118: {  	s31 =	sshra.s32 s1, $0x1F;
	p5 =	slt.s32 s1, $0x1;
	p6 =	sne.s32 s30, $0x0  }
0x119: {  	s31 =	sshrl.u32 s31, $0x19;
	p0 =	por !p5, !p6  }
0x11a: {  	s30 =	simm.s32 $0x1;
	s1 =	sadd.s32 s31, s1;
	p0 =	por !p0, !p0  }
0x11b: {  	s1 =	sshrl.u32 s1, $0x7;
	s30 =	simm.s32 @!p0 $0x0  }
0x11c: {  	s1 =	ssub.s32 s1, s30  }
0x11d: {  	s1 =	sshll.u32 s1, $0x7  }
0x11e: {  	(v2sf) =	vpush v4, $0x3;
	p0 =	slt.s32 s1, $0xF4180  }
0x11f: {  	s1 =	simm.s32 @!p0 $0xF4180  }
0x120: {  	s30 =	spop (v2sf);
	s1 =	sadd.s32 s2, s1  }
0x121: {  	[tilespmem:s16], [sflag:$0x1] =	stream.strided.gather [hbm4b:s1+s13], $0x2000, s14, s13, $0x38;
	[tilespmem:$0x1A980] =	vst v63  }
0x122: {  	s1 =	sand.u32 $0x7F, s30  }
0x123: {  	s31 =	sshra.s32 s30, $0x1F;
	p1 =	slt.s32 s30, $0x1;
	p2 =	sne.s32 s1, $0x0  }
0x124: {  	s31 =	sshrl.u32 s31, $0x19;
	p0 =	por !p1, !p2  }
0x125: {  	s1 =	sadd.s32 s31, s30;
	s30 =	simm.s32 $0x1;
	p0 =	por !p0, !p0  }
0x126: {  	s1 =	sshrl.u32 s1, $0x7;
	s30 =	simm.s32 @!p0 $0x0  }
0x127: {  	s1 =	ssub.s32 s1, s30  }
0x128: {  	s1 =	sshll.u32 s1, $0x7  }
0x129: {  	p0 =	slt.s32 s1, $0xF4180  }
0x12a: {  	s1 =	simm.s32 @!p0 $0xF4180  }
0x12b: {  	s1 =	sadd.s32 s2, s1  }
0x12c: {  	[tilespmem:s17], [sflag:$0x1] =	stream.strided.gather [hbm4b:s1+s13], $0x2000, s14, s13, $0x38;
	[tilespmem:$0x1A980] =	vst v63  }
0x12d: {  	s1 =	spop (v2sf)  }
0x12e: {  	s30 =	sand.u32 $0x7F, s1  }
0x12f: {  	s31 =	sshra.s32 s1, $0x1F;
	p3 =	slt.s32 s1, $0x1;
	p4 =	sne.s32 s30, $0x0  }
0x130: {  	s31 =	sshrl.u32 s31, $0x19;
	p0 =	por !p3, !p4  }
0x131: {  	s30 =	simm.s32 $0x1;
	s1 =	sadd.s32 s31, s1;
	p0 =	por !p0, !p0  }
0x132: {  	s1 =	sshrl.u32 s1, $0x7;
	s30 =	simm.s32 @!p0 $0x0  }
0x133: {  	s1 =	ssub.s32 s1, s30  }
0x134: {  	s1 =	sshll.u32 s1, $0x7  }
0x135: {  	p0 =	slt.s32 s1, $0xF4180  }
0x136: {  	s1 =	simm.s32 @!p0 $0xF4180  }
0x137: {  	s1 =	sadd.s32 s2, s1  }
0x138: {  	[tilespmem:s18], [sflag:$0x1] =	stream.strided.gather [hbm4b:s1+s13], $0x2000, s14, s13, $0x38;
	[tilespmem:$0x1A980] =	vst v63  }
0x139: {  	v4 =	vld [tilespmem:s24+$0x0];
	_ =	swait.ge [sflag:s20], $0x2000  }
0x13a: {  	[sflag:s20] =	ssyncset.done $0x0  }
0x13b: {  	[sflag:s20] =	ssyncadd.s32 $0xFFFFE000  }
0x13c: {  	_ =	swait.ge [sflag:s20], $0x2000  }
0x13d: {  	[sflag:s20] =	ssyncset.done $0x0  }
0x13e: {  	[sflag:s20] =	ssyncadd.s32 $0xFFFFE000  }
0x13f: {  	_ =	swait.ge [sflag:s20], $0x2000  }
0x140: {  	[sflag:s20] =	ssyncset.done $0x0  }
0x141: {  	[sflag:s20] =	ssyncadd.s32 $0xFFFFE000  }
0x142: {  	_ =	swait.ge [sflag:s20], $0x2000  }
0x143: {  	(v2sf) =	vpush v4, $0x0;
	_ =	sdelay $0xe  }
0x144: {  	s1 =	spop (v2sf)  }
0x145: {  	s30 =	sand.u32 $0x7F, s1  }
0x146: {  	s31 =	sshra.s32 s1, $0x1F;
	p5 =	slt.s32 s1, $0x1;
	p6 =	sne.s32 s30, $0x0  }
0x147: {  	s31 =	sshrl.u32 s31, $0x19;
	p0 =	por !p5, !p6  }
0x148: {  	s30 =	sadd.s32 s31, s1;
	s31 =	simm.s32 $0x1;
	p0 =	por !p0, !p0  }
0x149: {  	s30 =	sshrl.u32 s30, $0x7;
	s31 =	simm.s32 @!p0 $0x0  }
0x14a: {  	s30 =	ssub.s32 s30, s31  }
0x14b: {  	s30 =	sshll.u32 s30, $0x7  }
0x14c: {  	p0 =	slt.s32 s30, $0xF4180  }
0x14d: {  	s30 =	simm.s32 @!p0 $0xF4180  }
0x14e: {  	p0 =	sgt.s32 s1, $0xF41FF;
	s30 =	ssub.s32 $0x0, s30  }
0x14f: {  	s30 =	simm.s32 @p0 $0xFFF0BE00  }
0x150: {  	s1 =	sadd.s32 s1, s30  }
0x151: {  	s30 =	simm.s32 $0x10000;
	v5 =	vmov s1  }
0x152: {  	s30 =	simm.s32 @!p0 $0x8000;
	v38 =	vand.u32 $0xFFFFFF80, v5  }
0x153: {  	v5 =	vand.u32 $0x7F, v5;
	v6 =	vadd.s32 s30, v38  }
0x154: {  	v5 =	vor.u32 v5, v6  }
0x155: {  	v6 =	vadd.s32 v0, v5;
	_ =	sdelay $0x1  }
0x156: {  	[sflag:s20] =	ssyncset.done $0x0  }
0x157: {  	[sflag:s20] =	ssyncadd.s32 $0xFFFFE000;
	(v2sf) =	vpush v4, $0x1  }
0x158: {  	v39 =	vld [tilespmem:s23+$0x0]  }
0x159: {  	v6 =	vld.idx.msk [tilespmem:v6+s15+$0x0], $0xffff;
	_ =	sdelay $0x2  }
0x15a: {  	v40 =	vadd.s32 v1, v5;
	_ =	sdelay $0x1  }
0x15b: {  	v6 =	vadd.f32 v39, v6;
	_ =	sdelay $0x1  }
0x15c: {  	[tilespmem:s29+$0x1A380] =	vst v6  }
0x15d: {  	v6 =	vld.idx.msk [tilespmem:v40+s15+$0x0], $0xffff  }
0x15e: {  	v41 =	vld [tilespmem:s23+$0x10];
	_ =	sdelay $0x2  }
0x15f: {  	v42 =	vadd.s32 v2, v5  }
0x160: {  	s1 =	spop (v2sf)  }
0x161: {  	s30 =	sand.u32 $0x7F, s1;
	v6 =	vadd.f32 v41, v6  }
0x162: {  	s31 =	sshra.s32 s1, $0x1F;
	p1 =	slt.s32 s1, $0x1;
	p2 =	sne.s32 s30, $0x0  }
0x163: {  	s31 =	sshrl.u32 s31, $0x19;
	p0 =	por !p1, !p2;
	[tilespmem:s29+$0x1A390] =	vst v6  }
0x164: {  	s30 =	sadd.s32 s31, s1;
	s31 =	simm.s32 $0x1;
	p0 =	por !p0, !p0;
	v6 =	vld.idx.msk [tilespmem:v42+s15+$0x0], $0xffff  }
0x165: {  	s30 =	sshrl.u32 s30, $0x7;
	s31 =	simm.s32 @!p0 $0x0;
	v43 =	vld [tilespmem:s23+$0x20]  }
0x166: {  	s30 =	ssub.s32 s30, s31  }
0x167: {  	s30 =	sshll.u32 s30, $0x7  }
0x168: {  	v5 =	vadd.s32 v3, v5;
	p0 =	slt.s32 s30, $0xF4180  }
0x169: {  	s30 =	simm.s32 @!p0 $0xF4180  }
0x16a: {  	p0 =	sgt.s32 s1, $0xF41FF;
	s30 =	ssub.s32 $0x0, s30;
	v6 =	vadd.f32 v43, v6  }
0x16b: {  	s30 =	simm.s32 @p0 $0xFFF0BE00  }
0x16c: {  	s1 =	sadd.s32 s1, s30;
	[tilespmem:s29+$0x1A3A0] =	vst v6  }
0x16d: {  	s30 =	simm.s32 $0x10000;
	v44 =	vmov s1;
	v5 =	vld.idx.msk [tilespmem:v5+s15+$0x0], $0xffff  }
0x16e: {  	s30 =	simm.s32 @!p0 $0xA000;
	v46 =	vand.u32 $0xFFFFFF80, v44;
	v45 =	vld [tilespmem:s23+$0x30]  }
0x16f: {  	v8 =	vadd.s32 s30, v46;
	v6 =	vand.u32 $0x7F, v44  }
0x170: {  	v6 =	vor.u32 v6, v8  }
0x171: {  	v8 =	vadd.s32 v0, v6;
	_ =	sdelay $0x1  }
0x172: {  	v5 =	vadd.f32 v45, v5;
	_ =	sdelay $0x1  }
0x173: {  	(v2sf) =	vpush v4, $0x2;
	[tilespmem:s29+$0x1A3B0] =	vst v5  }
0x174: {  	v5 =	vld.idx.msk [tilespmem:v8+s15+$0x0], $0xffff  }
0x175: {  	v47 =	vld [tilespmem:s23+$0x80];
	_ =	sdelay $0x2  }
0x176: {  	v48 =	vadd.s32 v1, v6;
	_ =	sdelay $0x1  }
0x177: {  	v5 =	vadd.f32 v47, v5;
	_ =	sdelay $0x1  }
0x178: {  	[tilespmem:s29+$0x1A400] =	vst v5  }
0x179: {  	v5 =	vld.idx.msk [tilespmem:v48+s15+$0x0], $0xffff  }
0x17a: {  	v49 =	vld [tilespmem:s23+$0x90];
	_ =	sdelay $0x2  }
0x17b: {  	v50 =	vadd.s32 v2, v6  }
0x17c: {  	s1 =	spop (v2sf)  }
0x17d: {  	s30 =	sand.u32 $0x7F, s1;
	v5 =	vadd.f32 v49, v5  }
0x17e: {  	s31 =	sshra.s32 s1, $0x1F;
	p3 =	slt.s32 s1, $0x1;
	p4 =	sne.s32 s30, $0x0  }
0x17f: {  	s31 =	sshrl.u32 s31, $0x19;
	p0 =	por !p3, !p4;
	[tilespmem:s29+$0x1A410] =	vst v5  }
0x180: {  	s30 =	sadd.s32 s31, s1;
	s31 =	simm.s32 $0x1;
	p0 =	por !p0, !p0;
	v5 =	vld.idx.msk [tilespmem:v50+s15+$0x0], $0xffff  }
0x181: {  	s30 =	sshrl.u32 s30, $0x7;
	s31 =	simm.s32 @!p0 $0x0;
	v51 =	vld [tilespmem:s23+$0xA0]  }
0x182: {  	s30 =	ssub.s32 s30, s31  }
0x183: {  	s30 =	sshll.u32 s30, $0x7  }
0x184: {  	p0 =	slt.s32 s30, $0xF4180;
	v6 =	vadd.s32 v3, v6  }
0x185: {  	s30 =	simm.s32 @!p0 $0xF4180  }
0x186: {  	p0 =	sgt.s32 s1, $0xF41FF;
	s30 =	ssub.s32 $0x0, s30;
	v5 =	vadd.f32 v51, v5  }
0x187: {  	s30 =	simm.s32 @p0 $0xFFF0BE00  }
0x188: {  	s1 =	sadd.s32 s1, s30;
	[tilespmem:s29+$0x1A420] =	vst v5  }
0x189: {  	s30 =	simm.s32 $0x10000;
	v52 =	vmov s1;
	v5 =	vld.idx.msk [tilespmem:v6+s15+$0x0], $0xffff  }
0x18a: {  	s30 =	simm.s32 @!p0 $0xC000;
	v54 =	vand.u32 $0xFFFFFF80, v52;
	v53 =	vld [tilespmem:s23+$0xB0]  }
0x18b: {  	v8 =	vadd.s32 s30, v54;
	v6 =	vand.u32 $0x7F, v52  }
0x18c: {  	v6 =	vor.u32 v6, v8  }
0x18d: {  	v8 =	vadd.s32 v0, v6;
	_ =	sdelay $0x1  }
0x18e: {  	v5 =	vadd.f32 v53, v5;
	_ =	sdelay $0x1  }
0x18f: {  	(v2sf) =	vpush v4, $0x3;
	[tilespmem:s29+$0x1A430] =	vst v5  }
0x190: {  	v4 =	vld.idx.msk [tilespmem:v8+s15+$0x0], $0xffff  }
0x191: {  	v5 =	vld [tilespmem:s23+$0x100];
	_ =	sdelay $0x2  }
0x192: {  	v55 =	vadd.s32 v1, v6;
	_ =	sdelay $0x1  }
0x193: {  	v4 =	vadd.f32 v5, v4;
	_ =	sdelay $0x1  }
0x194: {  	[tilespmem:s29+$0x1A480] =	vst v4  }
0x195: {  	v4 =	vld.idx.msk [tilespmem:v55+s15+$0x0], $0xffff  }
0x196: {  	v5 =	vld [tilespmem:s23+$0x110];
	_ =	sdelay $0x2  }
0x197: {  	v56 =	vadd.s32 v2, v6  }
0x198: {  	s1 =	spop (v2sf)  }
0x199: {  	s30 =	sand.u32 $0x7F, s1;
	v4 =	vadd.f32 v5, v4  }
0x19a: {  	s31 =	sshra.s32 s1, $0x1F;
	p5 =	slt.s32 s1, $0x1;
	p6 =	sne.s32 s30, $0x0  }
0x19b: {  	s31 =	sshrl.u32 s31, $0x19;
	p0 =	por !p5, !p6;
	[tilespmem:s29+$0x1A490] =	vst v4  }
0x19c: {  	s30 =	sadd.s32 s31, s1;
	s31 =	simm.s32 $0x1;
	p0 =	por !p0, !p0;
	v4 =	vld.idx.msk [tilespmem:v56+s15+$0x0], $0xffff  }
0x19d: {  	s30 =	sshrl.u32 s30, $0x7;
	s31 =	simm.s32 @!p0 $0x0;
	v5 =	vld [tilespmem:s23+$0x120]  }
0x19e: {  	s30 =	ssub.s32 s30, s31  }
0x19f: {  	s30 =	sshll.u32 s30, $0x7  }
0x1a0: {  	p0 =	slt.s32 s30, $0xF4180;
	v6 =	vadd.s32 v3, v6  }
0x1a1: {  	s30 =	simm.s32 @!p0 $0xF4180  }
0x1a2: {  	p0 =	sgt.s32 s1, $0xF41FF;
	s30 =	ssub.s32 $0x0, s30;
	v4 =	vadd.f32 v5, v4  }
0x1a3: {  	s30 =	simm.s32 @p0 $0xFFF0BE00  }
0x1a4: {  	s1 =	sadd.s32 s1, s30;
	[tilespmem:s29+$0x1A4A0] =	vst v4  }
0x1a5: {  	s30 =	simm.s32 $0x10000;
	v5 =	vmov s1;
	v4 =	vld.idx.msk [tilespmem:v6+s15+$0x0], $0xffff  }
0x1a6: {  	s30 =	simm.s32 @!p0 $0xE000;
	v58 =	vand.u32 $0xFFFFFF80, v5;
	v57 =	vld [tilespmem:s23+$0x130]  }
0x1a7: {  	v5 =	vand.u32 $0x7F, v5;
	v7 =	vadd.s32 s30, v58  }
0x1a8: {  	v5 =	vor.u32 v5, v7  }
0x1a9: {  	v7 =	vadd.s32 v0, v5;
	_ =	sdelay $0x1  }
0x1aa: {  	v4 =	vadd.f32 v57, v4;
	_ =	sdelay $0x1  }
0x1ab: {  	[tilespmem:s29+$0x1A4B0] =	vst v4  }
0x1ac: {  	v4 =	vld.idx.msk [tilespmem:v7+s15+$0x0], $0xffff  }
0x1ad: {  	v59 =	vld [tilespmem:s23+$0x180];
	_ =	sdelay $0x2  }
0x1ae: {  	v60 =	vadd.s32 v1, v5;
	_ =	sdelay $0x1  }
0x1af: {  	v4 =	vadd.f32 v59, v4;
	_ =	sdelay $0x1  }
0x1b0: {  	[tilespmem:s29+$0x1A500] =	vst v4  }
0x1b1: {  	v4 =	vld.idx.msk [tilespmem:v60+s15+$0x0], $0xffff  }
0x1b2: {  	v61 =	vld [tilespmem:s23+$0x190];
	_ =	sdelay $0x2  }
0x1b3: {  	v62 =	vadd.s32 v2, v5;
	_ =	sdelay $0x1  }
0x1b4: {  	v4 =	vadd.f32 v61, v4;
	_ =	sdelay $0x1  }
0x1b5: {  	[tilespmem:s29+$0x1A510] =	vst v4  }
0x1b6: {  	v4 =	vld.idx.msk [tilespmem:v62+s15+$0x0], $0xffff  }
0x1b7: {  	v63 =	vld [tilespmem:s23+$0x1A0];
	_ =	sdelay $0x2  }
0x1b8: {  	v5 =	vadd.s32 v3, v5;
	_ =	sdelay $0x1  }
0x1b9: {  	v4 =	vadd.f32 v63, v4;
	_ =	sdelay $0x1  }
0x1ba: {  	[tilespmem:s29+$0x1A520] =	vst v4  }
0x1bb: {  	v4 =	vld.idx.msk [tilespmem:v5+s15+$0x0], $0xffff  }
0x1bc: {  	v5 =	vld [tilespmem:s23+$0x1B0];
	_ =	sdelay $0x2  }
0x1bd: {  	s28 =	sadd.s32 $0x2, s28  }
0x1be: {  	p0 =	sne.s32 s28, $0x40  }
.Ltmp0:
0x1bf: {  	v4 =	vadd.f32 v5, v4;
	(pc) =	sbr.rel @p0 .LBB2_2-.Ltmp0, $4  }
0x1c0: {  	_ = 	snop  }
0x1c1: {  	s25 =	sadd.s32 $0x400, s25;
	s31 =	sor.u32 $0x1A180, s29;
	[tilespmem:s29+$0x1A530] =	vst v4  }
0x1c2: {  	[hbm4b:s26+s3] =	stream.linear.scatter [tilespmem:s31], [sflag:$0x4], $0x400, $0x38;
	[tilespmem:$0x1A980] =	vst v63  }
0x1c3: {  	s24 =	sadd.s32 $0x8, s24;
	s23 =	sadd.s32 $0x400, s23;
	s26 =	sadd.s32 $0x80, s26  }
0x1c4: {  	_ =	swait.ge [sflag:s12], $0x2000  }
0x1c5: {  	[sflag:s12] =	ssyncset.done $0x0  }
0x1c6: {  	[sflag:s12] =	ssyncadd.s32 $0xFFFFE000  }
0x1c7: {  	_ =	swait.ge [sflag:s12], $0x2000  }
0x1c8: {  	[sflag:s12] =	ssyncset.done $0x0  }
0x1c9: {  	[sflag:s12] =	ssyncadd.s32 $0xFFFFE000  }
0x1ca: {  	_ =	swait.ge [sflag:s12], $0x2000  }
0x1cb: {  	[sflag:s12] =	ssyncset.done $0x0  }
0x1cc: {  	s22 =	sadd.s32 $0x1, s22;
	[sflag:s12] =	ssyncadd.s32 $0xFFFFE000  }
0x1cd: {  	p0 =	sne.s32 s22, s7;
	_ =	swait.ge [sflag:s12], $0x2000  }
.Ltmp1:
0x1ce: {  	[sflag:s12] =	ssyncset.done $0x0;
	(pc) =	sbr.rel @p0 .LBB2_1-.Ltmp1, $4  }
0x1cf: {  	[sflag:s12] =	ssyncadd.s32 $0xFFFFE000  }
0x1d0: {  	_ =	swait.ge [sflag:s21], $0x400  }
0x1d1: {  	[sflag:s21] =	ssyncset.done $0x0  }
0x1d2: {  	[sflag:s21] =	ssyncadd.s32 $0xFFFFFC00  }
0x1d3: {  	_ =	sfence.sel $0x180000  }
0x1d4: {  	[bflag:$0x0] =	sbarrier.arrive $0xFFFF  }
0x1d5: {  	_ =	strace $0x90000047  }
0x1d6: {  	[bflag:$0x2] =	sbarrier.arrive $0xFFFF  }
0x1d7: {  	p0 =	sne.s32 s0, $0x0;
	s0 =	rddreg [dreg:$0x3]  }
0x1d8: {  	s0 =	sadd.s32 @!p0 $0x100000, s0  }
0x1d9: {  	[sflag:s0] =	ssyncadd.tile.s32 @!p0 $0x1;
	_ =	shalt  }
.Lfunc_end2:
_tile_overlayer_lowered:
.L_overlay_start_2:
0x1da: {  	(tag) =	ssettag $0x2  }
0x1db: {  	s0 =	rddreg [dreg:$0x0];
	s2 =	stileid.u32  }
0x1dc: {  	s1 =	rddreg [dreg:$0x1];
	p0 =	sne.s32 s2, $0x0  }
0x1dd: {  	s3 =	rddreg [dreg:$0x2];
	[bflag:$0x3] =	sbarrier.arrive $0xFFFF;
	s2 =	simm.s32 @!p0 $0x1C05  }
0x1de: {  	[timem:s3], [sflag:s2] =	dma.local @!p0 [hbm:s0], s1  }
0x1df: {  	s0 =	simm.s32 @!p0 $0x5  }
0x1e0: {  	_ =	swait.ge @!p0 [sflag:s0], s1  }
0x1e1: {  	s1 =	ssub.s32 @!p0 $0x0, s1;
	[sflag:s0] =	ssyncset.done @!p0 $0x0  }
0x1e2: {  	[sflag:s0] =	ssyncadd.s32 @!p0 s1  }
0x1e3: {  	[bflag:$0x3] =	sbarrier.arrive $0xFFFF  }
0x1e4: {  	_ =	shalt  }

</sc_bundles>
